<compile_context>
chip_gen: v7x
topology: tpu7x:2x2x1
jax: 0.10.2.dev20260603
libtpu: 0.0.44.dev20260713+nightly
codegen_flags: <defaults>
</compile_context>

<pallas_src>
import functools

import jax
import jax.numpy as jnp
from jax import lax
from jax.experimental import pallas as pl
from jax.experimental.pallas import tpu as pltpu
from jax.experimental.pallas import tpu_sc as plsc

VOCAB = 50265
HID = 768
MAXPOS = 2050
TYPEV = 2
PAD = 1
EPS = 1e-12
B = 4
S = 2048
N = B * S
_NH = N // 2

_SLAB = 256
_BLK = 512
_NBLK = S // _BLK
_KSLAB = _BLK + _SLAB
_TAB_PAD = 2304

_NC = 2
_NS = 16
_NW = _NC * _NS
_B_PER_W = _NH // _NW
_CH = 128


def _posid_body(ids_ref, ptab_ref, out_ref, ss_ref, tab_ref):
    ids = ids_ref[...]
    mask = (ids != PAD)
    maskb = mask.astype(jnp.bfloat16)
    ri = lax.broadcasted_iota(jnp.int32, (S, S), 0)
    ci = lax.broadcasted_iota(jnp.int32, (S, S), 1)
    tri = (ri <= ci).astype(jnp.bfloat16)
    inc = lax.dot_general(maskb, tri, (((1,), (0,)), ((), ())),
                          preferred_element_type=jnp.float32)
    inc = inc.astype(jnp.int32)
    out_ref[...] = inc * mask.astype(jnp.int32) + PAD
    ss_cols = [jnp.zeros((B, 1), jnp.int32)]
    for k in range(1, _NBLK):
        ss_cols.append((inc[:, k * _BLK - 1:k * _BLK] + 1) // _SLAB)
    ss_ref[...] = jnp.concatenate(ss_cols, axis=1)
    t = ptab_ref[...]
    tab_ref[pl.ds(0, 2048), :] = t[0:2048, :].astype(jnp.bfloat16)
    tail = jnp.concatenate(
        [t[2048:MAXPOS, :], jnp.zeros((16 - (MAXPOS - 2048), HID),
                                      jnp.float32)], axis=0)
    tab_ref[pl.ds(2048, 16), :] = tail.astype(jnp.bfloat16)
    tab_ref[pl.ds(2064, _TAB_PAD - 2064), :] = jnp.zeros(
        (_TAB_PAD - 2064, HID), jnp.bfloat16)


_posid_call = pl.pallas_call(
    _posid_body,
    out_shape=(jax.ShapeDtypeStruct((B, S), jnp.int32),
               jax.ShapeDtypeStruct((B, _NBLK), jnp.int32),
               jax.ShapeDtypeStruct((_TAB_PAD, HID), jnp.bfloat16)),
)


def _gather_body(word_hbm, wid_hbm, ow_hbm, idx_v, rows_v, sem):
    w = lax.axis_index("s") * _NC + lax.axis_index("c")
    base = w * _B_PER_W

    @pl.loop(0, _B_PER_W, step=_CH)
    def _(c):
        off = base + c
        pltpu.sync_copy(wid_hbm.at[pl.ds(off, _CH)], idx_v)
        pltpu.async_copy(word_hbm.at[idx_v], rows_v, sem).wait()
        pltpu.sync_copy(rows_v, ow_hbm.at[pl.ds(off, _CH)])


@functools.cache
def _gather_call():
    return functools.partial(
        pl.kernel,
        out_type=jax.ShapeDtypeStruct((_NH, HID), jnp.float32),
        mesh=plsc.VectorSubcoreMesh(core_axis_name="c", subcore_axis_name="s"),
        scratch_types=[
            pltpu.VMEM((_CH,), jnp.int32),
            pltpu.VMEM((_CH, HID), jnp.float32),
            pltpu.SemaphoreType.DMA,
        ],
    )(_gather_body)


def _make_ln_body(boff, aliased):
    def _ln_body(*refs):
        if aliased:
            (ss_ref, pid_ref, gw_ref, tab_ref, type_ref, g_ref, b_ref,
             _prev_ref, o_ref) = refs
        else:
            (ss_ref, pid_ref, gw_ref, tab_ref, type_ref, g_ref, b_ref,
             o_ref) = refs
        k = pl.program_id(0)
        b = pl.program_id(1) + boff
        ssv = ss_ref[b, k]
        pidc = pid_ref[...]

        slab = tab_ref[pl.ds(ssv * _SLAB, _KSLAB), :]
        lpid = pidc - ssv * _SLAB
        cols = lax.broadcasted_iota(jnp.int32, (_BLK, _KSLAB), 1)
        onehot = (lpid == cols).astype(jnp.bfloat16)
        acc = lax.dot_general(onehot, slab, (((1,), (0,)), ((), ())),
                              preferred_element_type=jnp.float32)

        padgate = jnp.where(ssv > 0, 1.0, 0.0)
        padrow = (padgate * (pidc == PAD).astype(jnp.float32)) \
            * tab_ref[PAD, :][None, :].astype(jnp.float32)
        x = gw_ref[...] + acc + padrow + type_ref[0, :][None, :]
        mean = jnp.mean(x, axis=-1, keepdims=True)
        xc = x - mean
        var = jnp.mean(xc * xc, axis=-1, keepdims=True)
        o_ref[...] = (xc * lax.rsqrt(var + EPS)) * g_ref[0, :][None, :] \
            + b_ref[0, :][None, :]
    return _ln_body


def _make_ln_call(boff, aliased):
    def _ob(k, b, ss):
        return (_NBLK * (b + boff) + k, 0)

    in_specs = [
        pl.BlockSpec((_BLK, 1), _ob),
        pl.BlockSpec((_BLK, HID), lambda k, b, ss: (_NBLK * b + k, 0)),
        pl.BlockSpec((_TAB_PAD, HID), lambda k, b, ss: (0, 0)),
        pl.BlockSpec((TYPEV, HID), lambda k, b, ss: (0, 0)),
        pl.BlockSpec((1, HID), lambda k, b, ss: (0, 0)),
        pl.BlockSpec((1, HID), lambda k, b, ss: (0, 0)),
    ]
    kwargs = {}
    if aliased:
        in_specs.append(pl.BlockSpec(memory_space=pl.ANY))
        kwargs["input_output_aliases"] = {7: 0}
    return pl.pallas_call(
        _make_ln_body(boff, aliased),
        grid_spec=pltpu.PrefetchScalarGridSpec(
            num_scalar_prefetch=1,
            grid=(_NBLK, B // 2),
            in_specs=in_specs,
            out_specs=pl.BlockSpec((_BLK, HID), _ob),
        ),
        out_shape=jax.ShapeDtypeStruct((N, HID), jnp.float32),
        **kwargs,
    )


_ln_call_a = _make_ln_call(0, aliased=False)
_ln_call_b = _make_ln_call(B // 2, aliased=True)


def kernel(input_ids, word_emb, pos_emb, type_emb, ln_gamma, ln_beta):
    position_ids, ss, tab = _posid_call(input_ids, pos_emb)
    ids_flat = input_ids.reshape(N)
    pid_col = position_ids.reshape(N, 1)
    gw_a = _gather_call()(word_emb, ids_flat[:_NH])
    gw_b = _gather_call()(word_emb, ids_flat[_NH:])
    g2 = ln_gamma.reshape(1, HID)
    b2 = ln_beta.reshape(1, HID)
    out_a = _ln_call_a(ss, pid_col, gw_a, tab, type_emb, g2, b2)
    out = _ln_call_b(ss, pid_col, gw_b, tab, type_emb, g2, b2, out_a)
    return out.reshape(B, S, HID), position_ids

# --- scband reference (transcript-rebuilt; emitter-appended) ---
"""Pipeline reference for scband-lilt-text-embeddings-65807488909582 (READ-ONLY COPY).

The authoritative reference and input builder live on the scoring server;
editing this copy changes nothing except your own understanding.
"""

import jax, jax.numpy as jnp
import numpy as np

VOCAB = 50265
HID = 768
MAXPOS = 2050
TYPEV = 2
PAD = 1
EPS = 1e-12
B = 4
S = 2048


def setup_inputs(seed: int = 0) -> dict:
    key = jax.random.key(seed)
    ks = jax.random.split(key, 6)
    input_ids = jax.random.randint(ks[0], (B, S), 0, VOCAB, dtype=jnp.int32)
    word_emb = jax.random.normal(ks[1], (VOCAB, HID), dtype=jnp.float32) * 0.02
    pos_emb = jax.random.normal(ks[2], (MAXPOS, HID), dtype=jnp.float32) * 0.02
    type_emb = jax.random.normal(ks[3], (TYPEV, HID), dtype=jnp.float32) * 0.02
    ln_gamma = jnp.ones((HID,), dtype=jnp.float32)
    ln_beta = jnp.zeros((HID,), dtype=jnp.float32)
    return {
        "input_ids": input_ids,
        "word_emb": word_emb,
        "pos_emb": pos_emb,
        "type_emb": type_emb,
        "ln_gamma": ln_gamma,
        "ln_beta": ln_beta,
    }


def reference(input_ids, word_emb, pos_emb, type_emb, ln_gamma, ln_beta):
    # create_position_ids_from_input_ids (fairseq make_positions style)
    mask = (input_ids != PAD).astype(jnp.int32)
    incremental_indices = jnp.cumsum(mask, axis=1).astype(jnp.int32)
    position_ids = (incremental_indices * mask) + PAD

    # token_type_ids default to zeros
    token_type_ids = jnp.zeros_like(input_ids)

    inputs_embeds = jnp.take(word_emb, input_ids, axis=0)
    token_type_embeddings = jnp.take(type_emb, token_type_ids, axis=0)
    embeddings = inputs_embeds + token_type_embeddings

    # absolute position embeddings
    position_embeddings = jnp.take(pos_emb, position_ids, axis=0)
    embeddings = embeddings + position_embeddings

    # LayerNorm (elementwise affine), eps = 1e-12
    mean = jnp.mean(embeddings, axis=-1, keepdims=True)
    var = jnp.mean(jnp.square(embeddings - mean), axis=-1, keepdims=True)
    normed = (embeddings - mean) / jnp.sqrt(var + EPS)
    out = normed * ln_gamma + ln_beta

    # dropout is identity in eval mode
    return (out, position_ids)

if __name__ == "__main__":
    import jax
    _d = setup_inputs()
    print(jax.jit(kernel)(*tuple(_d.values())))

</pallas_src>

<mosaic_0001>
#map = affine_map<(d0, d1) -> (0, 0)>
#map1 = affine_map<(d0, d1) -> (0)>
module attributes {stable_mosaic.version = 14 : i64} {
  func.func @_gather_body(%arg0: i32, %arg1: i32, %arg2: memref<50265x768xf32, #tpu.memory_space<hbm>>, %arg3: memref<4096xi32, #tpu.memory_space<hbm>>, %arg4: memref<4096x768xf32, #tpu.memory_space<hbm>>, %arg5: memref<128xi32, #tpu.memory_space<vmem>>, %arg6: memref<128x768xf32, #tpu.memory_space<vmem>>, %arg7: memref<!tpu.dma_semaphore, #tpu.memory_space<semaphore_mem>>) attributes {dimension_semantics = [#tpu.dimension_semantics<core_parallel>, #tpu.dimension_semantics<subcore_parallel>], iteration_bounds = array<i64: 2, 16>, scalar_prefetch = 0 : i64, scratch_operands = 3 : i64, tpu.core_type = #tpu.core_type<sc_vector_subcore>, window_params = [{transform_indices = #map}, {transform_indices = #map1}, {transform_indices = #map}]} {
    %mul3A = arith.constant 2 : i32
    %mul3A_0 = arith.muli %arg1, %mul3A : i32
    %add3A = arith.addi %mul3A_0, %arg0 : i32
    %mul3A_1 = arith.constant 128 : i32
    %mul3A_2 = arith.muli %add3A, %mul3A_1 : i32
    %scan3A = arith.constant 0 : i32
    %mul3A_3 = arith.constant 128 : i32
    %mul3A_4 = arith.muli %scan3A, %mul3A_3 : i32
    %add3A_5 = arith.constant 0 : i32
    %add3A_6 = arith.addi %add3A_5, %mul3A_4 : i32
    %add3A_7 = arith.addi %mul3A_2, %add3A_6 : i32
    "tpu.region"() ({
      %run_scoped3A = tpu.sem_alloc : memref<!tpu.dma_semaphore, #tpu.memory_space<semaphore_mem>>
      %dma_start3A_13 = tpu.memref_slice %arg3[%add3A_7] : memref<4096xi32, #tpu.memory_space<hbm>> -> memref<128xi32, #tpu.memory_space<hbm>>
      %dma_start3A_14 = tpu.memref_slice %arg3[%add3A_7] : memref<4096xi32, #tpu.memory_space<hbm>> -> memref<128xi32, #tpu.memory_space<hbm>>
      tpu.enqueue_dma source(%dma_start3A_14 : memref<128xi32, #tpu.memory_space<hbm>>) target(%arg5 : memref<128xi32, #tpu.memory_space<vmem>>) target_semaphore(%run_scoped3A : memref<!tpu.dma_semaphore, #tpu.memory_space<semaphore_mem>>)
      %dma_wait3A_15 = tpu.memref_slice %arg3[%add3A_7] : memref<4096xi32, #tpu.memory_space<hbm>> -> memref<128xi32, #tpu.memory_space<hbm>>
      %dma_wait3A_16 = tpu.memref_slice %arg3[%add3A_7] : memref<4096xi32, #tpu.memory_space<hbm>> -> memref<128xi32, #tpu.memory_space<hbm>>
      tpu.wait_dma2 semaphore(%run_scoped3A : memref<!tpu.dma_semaphore, #tpu.memory_space<semaphore_mem>>) src(%dma_wait3A_16 : memref<128xi32, #tpu.memory_space<hbm>>) dst(%arg5 : memref<128xi32, #tpu.memory_space<vmem>>)
      tpu.yield
    }) : () -> ()
    %dma_start3A = arith.constant 0 : i32
    %dma_start3A_8 = arith.constant 0 : i32
    %dma_start3A_9 = tpu.memref_slice %arg2[%dma_start3A, %dma_start3A_8] : memref<50265x768xf32, #tpu.memory_space<hbm>> -> memref<50265x768xf32, #tpu.memory_space<hbm>>
    tpu.enqueue_indirect_dma source(%dma_start3A_9 : memref<50265x768xf32, #tpu.memory_space<hbm>>) target(%arg6 : memref<128x768xf32, #tpu.memory_space<vmem>>) offsets(%arg5 : memref<128xi32, #tpu.memory_space<vmem>>) semaphore(%arg7 : memref<!tpu.dma_semaphore, #tpu.memory_space<semaphore_mem>>)
    %dma_wait3A = arith.constant 0 : i32
    %dma_wait3A_10 = arith.constant 0 : i32
    %dma_wait3A_11 = tpu.memref_slice %arg2[%dma_wait3A, %dma_wait3A_10] : memref<50265x768xf32, #tpu.memory_space<hbm>> -> memref<50265x768xf32, #tpu.memory_space<hbm>>
    tpu.wait_indirect_dma semaphore(%arg7 : memref<!tpu.dma_semaphore, #tpu.memory_space<semaphore_mem>>) src(%dma_wait3A_11 : memref<50265x768xf32, #tpu.memory_space<hbm>>) dst(%arg6 : memref<128x768xf32, #tpu.memory_space<vmem>>)
    "tpu.region"() ({
      %run_scoped3A = tpu.sem_alloc : memref<!tpu.dma_semaphore, #tpu.memory_space<semaphore_mem>>
      %dma_start3A_13 = arith.constant 0 : i32
      %dma_start3A_14 = tpu.memref_slice %arg4[%add3A_7, %dma_start3A_13] : memref<4096x768xf32, #tpu.memory_space<hbm>> -> memref<128x768xf32, #tpu.memory_space<hbm>>
      %dma_start3A_15 = arith.constant 0 : i32
      %dma_start3A_16 = tpu.memref_slice %arg4[%add3A_7, %dma_start3A_15] : memref<4096x768xf32, #tpu.memory_space<hbm>> -> memref<128x768xf32, #tpu.memory_space<hbm>>
      tpu.enqueue_dma source(%arg6 : memref<128x768xf32, #tpu.memory_space<vmem>>) target(%dma_start3A_16 : memref<128x768xf32, #tpu.memory_space<hbm>>) target_semaphore(%run_scoped3A : memref<!tpu.dma_semaphore, #tpu.memory_space<semaphore_mem>>)
      %dma_wait3A_17 = arith.constant 0 : i32
      %dma_wait3A_18 = tpu.memref_slice %arg4[%add3A_7, %dma_wait3A_17] : memref<4096x768xf32, #tpu.memory_space<hbm>> -> memref<128x768xf32, #tpu.memory_space<hbm>>
      %dma_wait3A_19 = arith.constant 0 : i32
      %dma_wait3A_20 = tpu.memref_slice %arg4[%add3A_7, %dma_wait3A_19] : memref<4096x768xf32, #tpu.memory_space<hbm>> -> memref<128x768xf32, #tpu.memory_space<hbm>>
      tpu.wait_dma2 semaphore(%run_scoped3A : memref<!tpu.dma_semaphore, #tpu.memory_space<semaphore_mem>>) src(%arg6 : memref<128x768xf32, #tpu.memory_space<vmem>>) dst(%dma_wait3A_20 : memref<128x768xf32, #tpu.memory_space<hbm>>)
      tpu.yield
    }) : () -> ()
    %scan3A_12 = arith.constant 1 : i32
    return
  }
}

#map = affine_map<(d0, d1) -> (0, 0)>
#map1 = affine_map<(d0, d1) -> (0)>
module attributes {stable_mosaic.version = 14 : i64} {
  func.func @_gather_body(%arg0: i32, %arg1: i32, %arg2: memref<50265x768xf32, #tpu.memory_space<hbm>>, %arg3: memref<4096xi32, #tpu.memory_space<hbm>>, %arg4: memref<4096x768xf32, #tpu.memory_space<hbm>>, %arg5: memref<128xi32, #tpu.memory_space<vmem>>, %arg6: memref<128x768xf32, #tpu.memory_space<vmem>>, %arg7: memref<!tpu.dma_semaphore, #tpu.memory_space<semaphore_mem>>) attributes {dimension_semantics = [#tpu.dimension_semantics<core_parallel>, #tpu.dimension_semantics<subcore_parallel>], iteration_bounds = array<i64: 2, 16>, scalar_prefetch = 0 : i64, scratch_operands = 3 : i64, tpu.core_type = #tpu.core_type<sc_vector_subcore>, window_params = [{transform_indices = #map}, {transform_indices = #map1}, {transform_indices = #map}]} {
    %mul3A = arith.constant 2 : i32
    %mul3A_0 = arith.muli %arg1, %mul3A : i32
    %add3A = arith.addi %mul3A_0, %arg0 : i32
    %mul3A_1 = arith.constant 128 : i32
    %mul3A_2 = arith.muli %add3A, %mul3A_1 : i32
    %scan3A = arith.constant 0 : i32
    %mul3A_3 = arith.constant 128 : i32
    %mul3A_4 = arith.muli %scan3A, %mul3A_3 : i32
    %add3A_5 = arith.constant 0 : i32
    %add3A_6 = arith.addi %add3A_5, %mul3A_4 : i32
    %add3A_7 = arith.addi %mul3A_2, %add3A_6 : i32
    "tpu.region"() ({
      %run_scoped3A = tpu.sem_alloc : memref<!tpu.dma_semaphore, #tpu.memory_space<semaphore_mem>>
      %dma_start3A_13 = tpu.memref_slice %arg3[%add3A_7] : memref<4096xi32, #tpu.memory_space<hbm>> -> memref<128xi32, #tpu.memory_space<hbm>>
      %dma_start3A_14 = tpu.memref_slice %arg3[%add3A_7] : memref<4096xi32, #tpu.memory_space<hbm>> -> memref<128xi32, #tpu.memory_space<hbm>>
      tpu.enqueue_dma source(%dma_start3A_14 : memref<128xi32, #tpu.memory_space<hbm>>) target(%arg5 : memref<128xi32, #tpu.memory_space<vmem>>) target_semaphore(%run_scoped3A : memref<!tpu.dma_semaphore, #tpu.memory_space<semaphore_mem>>)
      %dma_wait3A_15 = tpu.memref_slice %arg3[%add3A_7] : memref<4096xi32, #tpu.memory_space<hbm>> -> memref<128xi32, #tpu.memory_space<hbm>>
      %dma_wait3A_16 = tpu.memref_slice %arg3[%add3A_7] : memref<4096xi32, #tpu.memory_space<hbm>> -> memref<128xi32, #tpu.memory_space<hbm>>
      tpu.wait_dma2 semaphore(%run_scoped3A : memref<!tpu.dma_semaphore, #tpu.memory_space<semaphore_mem>>) src(%dma_wait3A_16 : memref<128xi32, #tpu.memory_space<hbm>>) dst(%arg5 : memref<128xi32, #tpu.memory_space<vmem>>)
      tpu.yield
    }) : () -> ()
    %dma_start3A = arith.constant 0 : i32
    %dma_start3A_8 = arith.constant 0 : i32
    %dma_start3A_9 = tpu.memref_slice %arg2[%dma_start3A, %dma_start3A_8] : memref<50265x768xf32, #tpu.memory_space<hbm>> -> memref<50265x768xf32, #tpu.memory_space<hbm>>
    tpu.enqueue_indirect_dma source(%dma_start3A_9 : memref<50265x768xf32, #tpu.memory_space<hbm>>) target(%arg6 : memref<128x768xf32, #tpu.memory_space<vmem>>) offsets(%arg5 : memref<128xi32, #tpu.memory_space<vmem>>) semaphore(%arg7 : memref<!tpu.dma_semaphore, #tpu.memory_space<semaphore_mem>>)
    %dma_wait3A = arith.constant 0 : i32
    %dma_wait3A_10 = arith.constant 0 : i32
    %dma_wait3A_11 = tpu.memref_slice %arg2[%dma_wait3A, %dma_wait3A_10] : memref<50265x768xf32, #tpu.memory_space<hbm>> -> memref<50265x768xf32, #tpu.memory_space<hbm>>
    tpu.wait_indirect_dma semaphore(%arg7 : memref<!tpu.dma_semaphore, #tpu.memory_space<semaphore_mem>>) src(%dma_wait3A_11 : memref<50265x768xf32, #tpu.memory_space<hbm>>) dst(%arg6 : memref<128x768xf32, #tpu.memory_space<vmem>>)
    "tpu.region"() ({
      %run_scoped3A = tpu.sem_alloc : memref<!tpu.dma_semaphore, #tpu.memory_space<semaphore_mem>>
      %dma_start3A_13 = arith.constant 0 : i32
      %dma_start3A_14 = tpu.memref_slice %arg4[%add3A_7, %dma_start3A_13] : memref<4096x768xf32, #tpu.memory_space<hbm>> -> memref<128x768xf32, #tpu.memory_space<hbm>>
      %dma_start3A_15 = arith.constant 0 : i32
      %dma_start3A_16 = tpu.memref_slice %arg4[%add3A_7, %dma_start3A_15] : memref<4096x768xf32, #tpu.memory_space<hbm>> -> memref<128x768xf32, #tpu.memory_space<hbm>>
      tpu.enqueue_dma source(%arg6 : memref<128x768xf32, #tpu.memory_space<vmem>>) target(%dma_start3A_16 : memref<128x768xf32, #tpu.memory_space<hbm>>) target_semaphore(%run_scoped3A : memref<!tpu.dma_semaphore, #tpu.memory_space<semaphore_mem>>)
      %dma_wait3A_17 = arith.constant 0 : i32
      %dma_wait3A_18 = tpu.memref_slice %arg4[%add3A_7, %dma_wait3A_17] : memref<4096x768xf32, #tpu.memory_space<hbm>> -> memref<128x768xf32, #tpu.memory_space<hbm>>
      %dma_wait3A_19 = arith.constant 0 : i32
      %dma_wait3A_20 = tpu.memref_slice %arg4[%add3A_7, %dma_wait3A_19] : memref<4096x768xf32, #tpu.memory_space<hbm>> -> memref<128x768xf32, #tpu.memory_space<hbm>>
      tpu.wait_dma2 semaphore(%run_scoped3A : memref<!tpu.dma_semaphore, #tpu.memory_space<semaphore_mem>>) src(%arg6 : memref<128x768xf32, #tpu.memory_space<vmem>>) dst(%dma_wait3A_20 : memref<128x768xf32, #tpu.memory_space<hbm>>)
      tpu.yield
    }) : () -> ()
    %scan3A_12 = arith.constant 1 : i32
    return
  }
}

module attributes {stable_mosaic.version = 14 : i64} {
  func.func @_posid_body(%arg0: memref<4x2048xi32, #tpu.memory_space<vmem>>, %arg1: memref<2050x768xf32, #tpu.memory_space<vmem>>, %arg2: memref<4x2048xi32, #tpu.memory_space<vmem>>, %arg3: memref<4x4xi32, #tpu.memory_space<vmem>>, %arg4: memref<2304x768xbf16, #tpu.memory_space<vmem>>) attributes {dimension_semantics = [], scalar_prefetch = 0 : i64, scratch_operands = 0 : i64, tpu.core_type = #tpu.core_type<tc>} {
    %get3A = arith.constant 0 : index
    %get3A_0 = arith.constant 0 : index
    %get3A_1 = vector.load %arg0[%get3A, %get3A_0] : memref<4x2048xi32, #tpu.memory_space<vmem>>, vector<4x2048xi32>
    %ne3A = arith.constant 1 : i32
    %ne3A_2 = vector.broadcast %ne3A : i32 to vector<4x2048xi32>
    %ne3A_3 = arith.cmpi ne, %get3A_1, %ne3A_2 : vector<4x2048xi32>
    %convert_element_type3A = arith.extui %ne3A_3 : vector<4x2048xi1> to vector<4x2048xi32>
    %convert_element_type3A_4 = arith.sitofp %convert_element_type3A : vector<4x2048xi32> to vector<4x2048xf32>
    %convert_element_type3A_5 = arith.truncf %convert_element_type3A_4 : vector<4x2048xf32> to vector<4x2048xbf16>
    %iota3A = tpu.iota {dimensions = array<i32: 0>} : vector<2048x2048xi32>
    %iota3A_6 = tpu.iota {dimensions = array<i32: 1>} : vector<2048x2048xi32>
    %le3A = arith.cmpi sle, %iota3A, %iota3A_6 : vector<2048x2048xi32>
    %convert_element_type3A_7 = arith.extui %le3A : vector<2048x2048xi1> to vector<2048x2048xi32>
    %convert_element_type3A_8 = arith.sitofp %convert_element_type3A_7 : vector<2048x2048xi32> to vector<2048x2048xf32>
    %convert_element_type3A_9 = arith.truncf %convert_element_type3A_8 : vector<2048x2048xf32> to vector<2048x2048xbf16>
    %dot_general3A = arith.constant dense<0.000000e+00> : vector<4x2048xf32>
    %dot_general3A_10 = tpu.matmul %convert_element_type3A_5, %convert_element_type3A_9, %dot_general3A {dimension_numbers = #tpu.dot_dimension_numbers<[1], [0], [0], [1], [0, 0, 1, 1], [], []>, transpose_lhs_hint = false} : vector<4x2048xbf16>, vector<2048x2048xbf16>, vector<4x2048xf32> -> vector<4x2048xf32>
    %convert_element_type3A_11 = arith.fptosi %dot_general3A_10 : vector<4x2048xf32> to vector<4x2048xi32>
    %convert_element_type3A_12 = arith.extui %ne3A_3 : vector<4x2048xi1> to vector<4x2048xi32>
    %mul3A = arith.muli %convert_element_type3A_11, %convert_element_type3A_12 : vector<4x2048xi32>
    %add3A = arith.constant 1 : i32
    %add3A_13 = vector.broadcast %add3A : i32 to vector<4x2048xi32>
    %add3A_14 = arith.addi %mul3A, %add3A_13 : vector<4x2048xi32>
    %swap3A = arith.constant 0 : index
    %swap3A_15 = arith.constant 0 : index
    %swap3A_16 = vector.load %arg2[%swap3A, %swap3A_15] : memref<4x2048xi32, #tpu.memory_space<vmem>>, vector<4x2048xi32>
    tpu.vector_store %arg2[%swap3A, %swap3A_15], %add3A_14 {strides = array<i32>} : memref<4x2048xi32, #tpu.memory_space<vmem>>, vector<4x2048xi32>,
    %broadcast_in_dim3A = arith.constant 0 : i32
    %broadcast_in_dim3A_17 = vector.broadcast %broadcast_in_dim3A : i32 to vector<4x1xi32>
    %slice3A = vector.extract_strided_slice %convert_element_type3A_11 {offsets = [0, 511], sizes = [4, 1], strides = [1, 1]} : vector<4x2048xi32> to vector<4x1xi32>
    %add3A_18 = arith.constant 1 : i32
    %add3A_19 = vector.broadcast %add3A_18 : i32 to vector<4x1xi32>
    %add3A_20 = arith.addi %slice3A, %add3A_19 : vector<4x1xi32>
    %jit3A = arith.constant 256 : i32
    %div3A = vector.broadcast %jit3A : i32 to vector<4x1xi32>
    %div3A_21 = arith.divsi %add3A_20, %div3A : vector<4x1xi32>
    %sign3A = arith.constant 0 : i32
    %sign3A_22 = vector.broadcast %sign3A : i32 to vector<4x1xi32>
    %sign3A_23 = arith.cmpi sgt, %add3A_20, %sign3A_22 : vector<4x1xi32>
    %sign3A_24 = arith.extui %sign3A_23 : vector<4x1xi1> to vector<4x1xi32>
    %sign3A_25 = arith.constant 0 : i32
    %sign3A_26 = vector.broadcast %sign3A_25 : i32 to vector<4x1xi32>
    %sign3A_27 = arith.cmpi slt, %add3A_20, %sign3A_26 : vector<4x1xi32>
    %sign3A_28 = arith.extui %sign3A_27 : vector<4x1xi1> to vector<4x1xi32>
    %sign3A_29 = arith.subi %sign3A_24, %sign3A_28 : vector<4x1xi32>
    %sign3A_30 = arith.constant 0 : i32
    %sign3A_31 = arith.cmpi sgt, %jit3A, %sign3A_30 : i32
    %sign3A_32 = arith.extui %sign3A_31 : i1 to i32
    %sign3A_33 = arith.constant 0 : i32
    %sign3A_34 = arith.cmpi slt, %jit3A, %sign3A_33 : i32
    %sign3A_35 = arith.extui %sign3A_34 : i1 to i32
    %sign3A_36 = arith.subi %sign3A_32, %sign3A_35 : i32
    %ne3A_37 = vector.broadcast %sign3A_36 : i32 to vector<4x1xi32>
    %ne3A_38 = arith.cmpi ne, %sign3A_29, %ne3A_37 : vector<4x1xi32>
    %rem3A = vector.broadcast %jit3A : i32 to vector<4x1xi32>
    %rem3A_39 = arith.remsi %add3A_20, %rem3A : vector<4x1xi32>
    %ne3A_40 = arith.constant 0 : i32
    %ne3A_41 = vector.broadcast %ne3A_40 : i32 to vector<4x1xi32>
    %ne3A_42 = arith.cmpi ne, %rem3A_39, %ne3A_41 : vector<4x1xi32>
    %and3A = arith.andi %ne3A_38, %ne3A_42 : vector<4x1xi1>
    %sub3A = arith.constant 1 : i32
    %sub3A_43 = vector.broadcast %sub3A : i32 to vector<4x1xi32>
    %sub3A_44 = arith.subi %div3A_21, %sub3A_43 : vector<4x1xi32>
    %select_n3A = arith.select %and3A, %sub3A_44, %div3A_21 : vector<4x1xi1>, vector<4x1xi32>
    %slice3A_45 = vector.extract_strided_slice %convert_element_type3A_11 {offsets = [0, 1023], sizes = [4, 1], strides = [1, 1]} : vector<4x2048xi32> to vector<4x1xi32>
    %add3A_46 = arith.constant 1 : i32
    %add3A_47 = vector.broadcast %add3A_46 : i32 to vector<4x1xi32>
    %add3A_48 = arith.addi %slice3A_45, %add3A_47 : vector<4x1xi32>
    %jit3A_49 = arith.constant 256 : i32
    %div3A_50 = vector.broadcast %jit3A_49 : i32 to vector<4x1xi32>
    %div3A_51 = arith.divsi %add3A_48, %div3A_50 : vector<4x1xi32>
    %sign3A_52 = arith.constant 0 : i32
    %sign3A_53 = vector.broadcast %sign3A_52 : i32 to vector<4x1xi32>
    %sign3A_54 = arith.cmpi sgt, %add3A_48, %sign3A_53 : vector<4x1xi32>
    %sign3A_55 = arith.extui %sign3A_54 : vector<4x1xi1> to vector<4x1xi32>
    %sign3A_56 = arith.constant 0 : i32
    %sign3A_57 = vector.broadcast %sign3A_56 : i32 to vector<4x1xi32>
    %sign3A_58 = arith.cmpi slt, %add3A_48, %sign3A_57 : vector<4x1xi32>
    %sign3A_59 = arith.extui %sign3A_58 : vector<4x1xi1> to vector<4x1xi32>
    %sign3A_60 = arith.subi %sign3A_55, %sign3A_59 : vector<4x1xi32>
    %sign3A_61 = arith.constant 0 : i32
    %sign3A_62 = arith.cmpi sgt, %jit3A_49, %sign3A_61 : i32
    %sign3A_63 = arith.extui %sign3A_62 : i1 to i32
    %sign3A_64 = arith.constant 0 : i32
    %sign3A_65 = arith.cmpi slt, %jit3A_49, %sign3A_64 : i32
    %sign3A_66 = arith.extui %sign3A_65 : i1 to i32
    %sign3A_67 = arith.subi %sign3A_63, %sign3A_66 : i32
    %ne3A_68 = vector.broadcast %sign3A_67 : i32 to vector<4x1xi32>
    %ne3A_69 = arith.cmpi ne, %sign3A_60, %ne3A_68 : vector<4x1xi32>
    %rem3A_70 = vector.broadcast %jit3A_49 : i32 to vector<4x1xi32>
    %rem3A_71 = arith.remsi %add3A_48, %rem3A_70 : vector<4x1xi32>
    %ne3A_72 = arith.constant 0 : i32
    %ne3A_73 = vector.broadcast %ne3A_72 : i32 to vector<4x1xi32>
    %ne3A_74 = arith.cmpi ne, %rem3A_71, %ne3A_73 : vector<4x1xi32>
    %and3A_75 = arith.andi %ne3A_69, %ne3A_74 : vector<4x1xi1>
    %sub3A_76 = arith.constant 1 : i32
    %sub3A_77 = vector.broadcast %sub3A_76 : i32 to vector<4x1xi32>
    %sub3A_78 = arith.subi %div3A_51, %sub3A_77 : vector<4x1xi32>
    %select_n3A_79 = arith.select %and3A_75, %sub3A_78, %div3A_51 : vector<4x1xi1>, vector<4x1xi32>
    %slice3A_80 = vector.extract_strided_slice %convert_element_type3A_11 {offsets = [0, 1535], sizes = [4, 1], strides = [1, 1]} : vector<4x2048xi32> to vector<4x1xi32>
    %add3A_81 = arith.constant 1 : i32
    %add3A_82 = vector.broadcast %add3A_81 : i32 to vector<4x1xi32>
    %add3A_83 = arith.addi %slice3A_80, %add3A_82 : vector<4x1xi32>
    %jit3A_84 = arith.constant 256 : i32
    %div3A_85 = vector.broadcast %jit3A_84 : i32 to vector<4x1xi32>
    %div3A_86 = arith.divsi %add3A_83, %div3A_85 : vector<4x1xi32>
    %sign3A_87 = arith.constant 0 : i32
    %sign3A_88 = vector.broadcast %sign3A_87 : i32 to vector<4x1xi32>
    %sign3A_89 = arith.cmpi sgt, %add3A_83, %sign3A_88 : vector<4x1xi32>
    %sign3A_90 = arith.extui %sign3A_89 : vector<4x1xi1> to vector<4x1xi32>
    %sign3A_91 = arith.constant 0 : i32
    %sign3A_92 = vector.broadcast %sign3A_91 : i32 to vector<4x1xi32>
    %sign3A_93 = arith.cmpi slt, %add3A_83, %sign3A_92 : vector<4x1xi32>
    %sign3A_94 = arith.extui %sign3A_93 : vector<4x1xi1> to vector<4x1xi32>
    %sign3A_95 = arith.subi %sign3A_90, %sign3A_94 : vector<4x1xi32>
    %sign3A_96 = arith.constant 0 : i32
    %sign3A_97 = arith.cmpi sgt, %jit3A_84, %sign3A_96 : i32
    %sign3A_98 = arith.extui %sign3A_97 : i1 to i32
    %sign3A_99 = arith.constant 0 : i32
    %sign3A_100 = arith.cmpi slt, %jit3A_84, %sign3A_99 : i32
    %sign3A_101 = arith.extui %sign3A_100 : i1 to i32
    %sign3A_102 = arith.subi %sign3A_98, %sign3A_101 : i32
    %ne3A_103 = vector.broadcast %sign3A_102 : i32 to vector<4x1xi32>
    %ne3A_104 = arith.cmpi ne, %sign3A_95, %ne3A_103 : vector<4x1xi32>
    %rem3A_105 = vector.broadcast %jit3A_84 : i32 to vector<4x1xi32>
    %rem3A_106 = arith.remsi %add3A_83, %rem3A_105 : vector<4x1xi32>
    %ne3A_107 = arith.constant 0 : i32
    %ne3A_108 = vector.broadcast %ne3A_107 : i32 to vector<4x1xi32>
    %ne3A_109 = arith.cmpi ne, %rem3A_106, %ne3A_108 : vector<4x1xi32>
    %and3A_110 = arith.andi %ne3A_104, %ne3A_109 : vector<4x1xi1>
    %sub3A_111 = arith.constant 1 : i32
    %sub3A_112 = vector.broadcast %sub3A_111 : i32 to vector<4x1xi32>
    %sub3A_113 = arith.subi %div3A_86, %sub3A_112 : vector<4x1xi32>
    %select_n3A_114 = arith.select %and3A_110, %sub3A_113, %div3A_86 : vector<4x1xi1>, vector<4x1xi32>
    %concatenate3A = tpu.concatenate %broadcast_in_dim3A_17, %select_n3A, %select_n3A_79, %select_n3A_114 in 1 : vector<4x1xi32>, vector<4x1xi32>, vector<4x1xi32>, vector<4x1xi32> -> vector<4x4xi32>
    %swap3A_115 = arith.constant 0 : index
    %swap3A_116 = arith.constant 0 : index
    %swap3A_117 = vector.load %arg3[%swap3A_115, %swap3A_116] : memref<4x4xi32, #tpu.memory_space<vmem>>, vector<4x4xi32>
    tpu.vector_store %arg3[%swap3A_115, %swap3A_116], %concatenate3A {strides = array<i32>} : memref<4x4xi32, #tpu.memory_space<vmem>>, vector<4x4xi32>,
    %get3A_118 = arith.constant 0 : index
    %get3A_119 = arith.constant 0 : index
    %get3A_120 = vector.load %arg1[%get3A_118, %get3A_119] : memref<2050x768xf32, #tpu.memory_space<vmem>>, vector<2050x768xf32>
    %slice3A_121 = vector.extract_strided_slice %get3A_120 {offsets = [0, 0], sizes = [2048, 768], strides = [1, 1]} : vector<2050x768xf32> to vector<2048x768xf32>
    %convert_element_type3A_122 = arith.truncf %slice3A_121 : vector<2048x768xf32> to vector<2048x768xbf16>
    %swap3A_123 = arith.constant 0 : index
    %swap3A_124 = arith.constant 0 : index
    %swap3A_125 = vector.load %arg4[%swap3A_123, %swap3A_124] : memref<2304x768xbf16, #tpu.memory_space<vmem>>, vector<2048x768xbf16>
    tpu.vector_store %arg4[%swap3A_123, %swap3A_124], %convert_element_type3A_122 {strides = array<i32>} : memref<2304x768xbf16, #tpu.memory_space<vmem>>, vector<2048x768xbf16>,
    %slice3A_126 = vector.extract_strided_slice %get3A_120 {offsets = [2048, 0], sizes = [2, 768], strides = [1, 1]} : vector<2050x768xf32> to vector<2x768xf32>
    %broadcast_in_dim3A_127 = arith.constant 0.000000e+00 : f32
    %broadcast_in_dim3A_128 = vector.broadcast %broadcast_in_dim3A_127 : f32 to vector<14x768xf32>
    %concatenate3A_129 = tpu.concatenate %slice3A_126, %broadcast_in_dim3A_128 in 0 : vector<2x768xf32>, vector<14x768xf32> -> vector<16x768xf32>
    %convert_element_type3A_130 = arith.truncf %concatenate3A_129 : vector<16x768xf32> to vector<16x768xbf16>
    %swap3A_131 = arith.constant 2048 : index
    %swap3A_132 = arith.constant 0 : index
    %swap3A_133 = vector.load %arg4[%swap3A_131, %swap3A_132] : memref<2304x768xbf16, #tpu.memory_space<vmem>>, vector<16x768xbf16>
    tpu.vector_store %arg4[%swap3A_131, %swap3A_132], %convert_element_type3A_130 {strides = array<i32>} : memref<2304x768xbf16, #tpu.memory_space<vmem>>, vector<16x768xbf16>,
    %broadcast_in_dim3A_134 = arith.constant 0.000000e+00 : bf16
    %broadcast_in_dim3A_135 = vector.broadcast %broadcast_in_dim3A_134 : bf16 to vector<240x768xbf16>
    %swap3A_136 = arith.constant 2064 : index
    %swap3A_137 = arith.constant 0 : index
    %swap3A_138 = vector.load %arg4[%swap3A_136, %swap3A_137] : memref<2304x768xbf16, #tpu.memory_space<vmem>>, vector<240x768xbf16>
    tpu.vector_store %arg4[%swap3A_136, %swap3A_137], %broadcast_in_dim3A_135 {strides = array<i32>} : memref<2304x768xbf16, #tpu.memory_space<vmem>>, vector<240x768xbf16>,
    return
  }
}

module attributes {stable_mosaic.version = 14 : i64} {
  func.func @_ln_body(%arg0: i32, %arg1: i32, %arg2: memref<4x4xi32, #tpu.memory_space<smem>>, %arg3: memref<512x1xi32, #tpu.memory_space<vmem>>, %arg4: memref<512x768xf32, #tpu.memory_space<vmem>>, %arg5: memref<2304x768xbf16, #tpu.memory_space<vmem>>, %arg6: memref<2x768xf32, #tpu.memory_space<vmem>>, %arg7: memref<1x768xf32, #tpu.memory_space<vmem>>, %arg8: memref<1x768xf32, #tpu.memory_space<vmem>>, %arg9: memref<8192x768xf32, #tpu.memory_space<any>>, %arg10: memref<512x768xf32, #tpu.memory_space<vmem>>) attributes {dimension_semantics = [#tpu.dimension_semantics<arbitrary>, #tpu.dimension_semantics<arbitrary>], iteration_bounds = array<i64: 4, 2>, scalar_prefetch = 1 : i64, scratch_operands = 0 : i64, tpu.core_type = #tpu.core_type<tc>, window_params = [{transform_indices = @transform_0, window_bounds = array<i64: 512, 1>}, {transform_indices = @transform_1, window_bounds = array<i64: 512, 768>}, {pipeline_mode = #tpu.pipeline_mode<synchronous>, transform_indices = @transform_2, window_bounds = array<i64: 2304, 768>}, {pipeline_mode = #tpu.pipeline_mode<synchronous>, transform_indices = @transform_3, window_bounds = array<i64: 2, 768>}, {pipeline_mode = #tpu.pipeline_mode<synchronous>, transform_indices = @transform_4, window_bounds = array<i64: 1, 768>}, {pipeline_mode = #tpu.pipeline_mode<synchronous>, transform_indices = @transform_5, window_bounds = array<i64: 1, 768>}, {}, {transform_indices = @transform_7, window_bounds = array<i64: 512, 768>}]} {
    %add3A = arith.constant 2 : i32
    %add3A_0 = arith.addi %arg1, %add3A : i32
    %get3A = arith.index_cast %add3A_0 : i32 to index
    %get3A_1 = arith.index_cast %arg0 : i32 to index
    %get3A_2 = memref.load %arg2[%get3A, %get3A_1] : memref<4x4xi32, #tpu.memory_space<smem>>
    %get3A_3 = arith.constant 0 : index
    %get3A_4 = arith.constant 0 : index
    %get3A_5 = vector.load %arg3[%get3A_3, %get3A_4] : memref<512x1xi32, #tpu.memory_space<vmem>>, vector<512x1xi32>
    %mul3A = arith.constant 256 : i32
    %mul3A_6 = arith.muli %get3A_2, %mul3A : i32
    %get3A_7 = arith.index_cast %mul3A_6 : i32 to index
    %get3A_8 = arith.constant 0 : index
    %get3A_9 = vector.load %arg5[%get3A_7, %get3A_8] : memref<2304x768xbf16, #tpu.memory_space<vmem>>, vector<768x768xbf16>
    %mul3A_10 = arith.constant 256 : i32
    %mul3A_11 = arith.muli %get3A_2, %mul3A_10 : i32
    %sub3A = vector.broadcast %mul3A_11 : i32 to vector<512x1xi32>
    %sub3A_12 = arith.subi %get3A_5, %sub3A : vector<512x1xi32>
    %iota3A = tpu.iota {dimensions = array<i32: 1>} : vector<512x768xi32>
    %eq3A = vector.broadcast %sub3A_12 : vector<512x1xi32> to vector<512x768xi32>
    %eq3A_13 = arith.cmpi eq, %eq3A, %iota3A : vector<512x768xi32>
    %convert_element_type3A = arith.extui %eq3A_13 : vector<512x768xi1> to vector<512x768xi32>
    %convert_element_type3A_14 = arith.sitofp %convert_element_type3A : vector<512x768xi32> to vector<512x768xf32>
    %convert_element_type3A_15 = arith.truncf %convert_element_type3A_14 : vector<512x768xf32> to vector<512x768xbf16>
    %dot_general3A = arith.constant dense<0.000000e+00> : vector<512x768xf32>
    %dot_general3A_16 = tpu.matmul %convert_element_type3A_15, %get3A_9, %dot_general3A {dimension_numbers = #tpu.dot_dimension_numbers<[1], [0], [0], [1], [0, 0, 1, 1], [], []>, transpose_lhs_hint = false} : vector<512x768xbf16>, vector<768x768xbf16>, vector<512x768xf32> -> vector<512x768xf32>
    %gt3A = arith.constant 0 : i32
    %gt3A_17 = arith.cmpi sgt, %get3A_2, %gt3A : i32
    %jit3A = arith.constant 1.000000e+00 : f32
    %jit3A_18 = arith.constant 0.000000e+00 : f32
    %select_n3A = arith.select %gt3A_17, %jit3A, %jit3A_18 : f32
    %eq3A_19 = arith.constant 1 : i32
    %eq3A_20 = vector.broadcast %eq3A_19 : i32 to vector<512x1xi32>
    %eq3A_21 = arith.cmpi eq, %get3A_5, %eq3A_20 : vector<512x1xi32>
    %convert_element_type3A_22 = arith.extui %eq3A_21 : vector<512x1xi1> to vector<512x1xi32>
    %convert_element_type3A_23 = arith.sitofp %convert_element_type3A_22 : vector<512x1xi32> to vector<512x1xf32>
    %mul3A_24 = vector.broadcast %select_n3A : f32 to vector<512x1xf32>
    %mul3A_25 = arith.mulf %mul3A_24, %convert_element_type3A_23 : vector<512x1xf32>
    %get3A_26 = arith.constant 1 : index
    %get3A_27 = arith.constant 0 : index
    %get3A_28 = vector.load %arg5[%get3A_26, %get3A_27] : memref<2304x768xbf16, #tpu.memory_space<vmem>>, vector<1x768xbf16>
    %get3A_29 = vector.shape_cast %get3A_28 : vector<1x768xbf16> to vector<768xbf16>
    %broadcast_in_dim3A = vector.shape_cast %get3A_29 : vector<768xbf16> to vector<1x768xbf16>
    %convert_element_type3A_30 = arith.extf %broadcast_in_dim3A : vector<1x768xbf16> to vector<1x768xf32>
    %mul3A_31 = vector.broadcast %mul3A_25 : vector<512x1xf32> to vector<512x768xf32>
    %mul3A_32 = vector.broadcast %convert_element_type3A_30 : vector<1x768xf32> to vector<512x768xf32>
    %mul3A_33 = arith.mulf %mul3A_31, %mul3A_32 : vector<512x768xf32>
    %get3A_34 = arith.constant 0 : index
    %get3A_35 = arith.constant 0 : index
    %get3A_36 = vector.load %arg4[%get3A_34, %get3A_35] : memref<512x768xf32, #tpu.memory_space<vmem>>, vector<512x768xf32>
    %add3A_37 = arith.addf %get3A_36, %dot_general3A_16 : vector<512x768xf32>
    %add3A_38 = arith.addf %add3A_37, %mul3A_33 : vector<512x768xf32>
    %get3A_39 = arith.constant 0 : index
    %get3A_40 = arith.constant 0 : index
    %get3A_41 = vector.load %arg6[%get3A_39, %get3A_40] : memref<2x768xf32, #tpu.memory_space<vmem>>, vector<1x768xf32>
    %get3A_42 = vector.shape_cast %get3A_41 : vector<1x768xf32> to vector<768xf32>
    %broadcast_in_dim3A_43 = vector.shape_cast %get3A_42 : vector<768xf32> to vector<1x768xf32>
    %add3A_44 = vector.broadcast %broadcast_in_dim3A_43 : vector<1x768xf32> to vector<512x768xf32>
    %add3A_45 = arith.addf %add3A_38, %add3A_44 : vector<512x768xf32>
    %reduce_sum3A = arith.constant dense<0.000000e+00> : vector<512xf32>
    %reduce_sum3A_46 = vector.multi_reduction <add>, %add3A_45, %reduce_sum3A [1] : vector<512x768xf32> to vector<512xf32>
    %broadcast_in_dim3A_47 = vector.shape_cast %reduce_sum3A_46 : vector<512xf32> to vector<512x1xf32>
    %div3A = arith.constant 7.680000e+02 : f32
    %div3A_48 = vector.broadcast %div3A : f32 to vector<512x1xf32>
    %div3A_49 = arith.divf %broadcast_in_dim3A_47, %div3A_48 : vector<512x1xf32>
    %sub3A_50 = vector.broadcast %div3A_49 : vector<512x1xf32> to vector<512x768xf32>
    %sub3A_51 = arith.subf %add3A_45, %sub3A_50 : vector<512x768xf32>
    %mul3A_52 = arith.mulf %sub3A_51, %sub3A_51 : vector<512x768xf32>
    %reduce_sum3A_53 = arith.constant dense<0.000000e+00> : vector<512xf32>
    %reduce_sum3A_54 = vector.multi_reduction <add>, %mul3A_52, %reduce_sum3A_53 [1] : vector<512x768xf32> to vector<512xf32>
    %broadcast_in_dim3A_55 = vector.shape_cast %reduce_sum3A_54 : vector<512xf32> to vector<512x1xf32>
    %div3A_56 = arith.constant 7.680000e+02 : f32
    %div3A_57 = vector.broadcast %div3A_56 : f32 to vector<512x1xf32>
    %div3A_58 = arith.divf %broadcast_in_dim3A_55, %div3A_57 : vector<512x1xf32>
    %add3A_59 = arith.constant 9.99999996E-13 : f32
    %add3A_60 = vector.broadcast %add3A_59 : f32 to vector<512x1xf32>
    %add3A_61 = arith.addf %div3A_58, %add3A_60 : vector<512x1xf32>
    %rsqrt3A = math.rsqrt %add3A_61 : vector<512x1xf32>
    %mul3A_62 = vector.broadcast %rsqrt3A : vector<512x1xf32> to vector<512x768xf32>
    %mul3A_63 = arith.mulf %sub3A_51, %mul3A_62 : vector<512x768xf32>
    %get3A_64 = arith.constant 0 : index
    %get3A_65 = arith.constant 0 : index
    %get3A_66 = vector.load %arg7[%get3A_64, %get3A_65] : memref<1x768xf32, #tpu.memory_space<vmem>>, vector<1x768xf32>
    %get3A_67 = vector.shape_cast %get3A_66 : vector<1x768xf32> to vector<768xf32>
    %broadcast_in_dim3A_68 = vector.shape_cast %get3A_67 : vector<768xf32> to vector<1x768xf32>
    %mul3A_69 = vector.broadcast %broadcast_in_dim3A_68 : vector<1x768xf32> to vector<512x768xf32>
    %mul3A_70 = arith.mulf %mul3A_63, %mul3A_69 : vector<512x768xf32>
    %get3A_71 = arith.constant 0 : index
    %get3A_72 = arith.constant 0 : index
    %get3A_73 = vector.load %arg8[%get3A_71, %get3A_72] : memref<1x768xf32, #tpu.memory_space<vmem>>, vector<1x768xf32>
    %get3A_74 = vector.shape_cast %get3A_73 : vector<1x768xf32> to vector<768xf32>
    %broadcast_in_dim3A_75 = vector.shape_cast %get3A_74 : vector<768xf32> to vector<1x768xf32>
    %add3A_76 = vector.broadcast %broadcast_in_dim3A_75 : vector<1x768xf32> to vector<512x768xf32>
    %add3A_77 = arith.addf %mul3A_70, %add3A_76 : vector<512x768xf32>
    %swap3A = arith.constant 0 : index
    %swap3A_78 = arith.constant 0 : index
    %swap3A_79 = vector.load %arg10[%swap3A, %swap3A_78] : memref<512x768xf32, #tpu.memory_space<vmem>>, vector<512x768xf32>
    tpu.vector_store %arg10[%swap3A, %swap3A_78], %add3A_77 {strides = array<i32>} : memref<512x768xf32, #tpu.memory_space<vmem>>, vector<512x768xf32>,
    return
  }
  func.func @transform_0(%arg0: i32, %arg1: i32, %arg2: memref<4x4xi32, #tpu.memory_space<smem>>) -> (i32, i32) {
    %add3A = arith.constant 2 : i32
    %add3A_0 = arith.addi %arg1, %add3A : i32
    %mul3A = arith.constant 4 : i32
    %mul3A_1 = arith.muli %mul3A, %add3A_0 : i32
    %add3A_2 = arith.addi %mul3A_1, %arg0 : i32
    %c0_i32 = arith.constant 0 : i32
    %c0_i32_3 = arith.constant 0 : i32
    return %add3A_2, %c0_i32 : i32, i32
  }
  func.func @transform_1(%arg0: i32, %arg1: i32, %arg2: memref<4x4xi32, #tpu.memory_space<smem>>) -> (i32, i32) {
    %mul3A = arith.constant 4 : i32
    %mul3A_0 = arith.muli %mul3A, %arg1 : i32
    %add3A = arith.addi %mul3A_0, %arg0 : i32
    %c0_i32 = arith.constant 0 : i32
    %c0_i32_1 = arith.constant 0 : i32
    return %add3A, %c0_i32 : i32, i32
  }
  func.func @transform_2(%arg0: i32, %arg1: i32, %arg2: memref<4x4xi32, #tpu.memory_space<smem>>) -> (i32, i32) {
    %c0_i32 = arith.constant 0 : i32
    %c0_i32_0 = arith.constant 0 : i32
    %c0_i32_1 = arith.constant 0 : i32
    return %c0_i32, %c0_i32_0 : i32, i32
  }
  func.func @transform_3(%arg0: i32, %arg1: i32, %arg2: memref<4x4xi32, #tpu.memory_space<smem>>) -> (i32, i32) {
    %c0_i32 = arith.constant 0 : i32
    %c0_i32_0 = arith.constant 0 : i32
    %c0_i32_1 = arith.constant 0 : i32
    return %c0_i32, %c0_i32_0 : i32, i32
  }
  func.func @transform_4(%arg0: i32, %arg1: i32, %arg2: memref<4x4xi32, #tpu.memory_space<smem>>) -> (i32, i32) {
    %c0_i32 = arith.constant 0 : i32
    %c0_i32_0 = arith.constant 0 : i32
    %c0_i32_1 = arith.constant 0 : i32
    return %c0_i32, %c0_i32_0 : i32, i32
  }
  func.func @transform_5(%arg0: i32, %arg1: i32, %arg2: memref<4x4xi32, #tpu.memory_space<smem>>) -> (i32, i32) {
    %c0_i32 = arith.constant 0 : i32
    %c0_i32_0 = arith.constant 0 : i32
    %c0_i32_1 = arith.constant 0 : i32
    return %c0_i32, %c0_i32_0 : i32, i32
  }
  func.func @transform_7(%arg0: i32, %arg1: i32, %arg2: memref<4x4xi32, #tpu.memory_space<smem>>) -> (i32, i32) {
    %add3A = arith.constant 2 : i32
    %add3A_0 = arith.addi %arg1, %add3A : i32
    %mul3A = arith.constant 4 : i32
    %mul3A_1 = arith.muli %mul3A, %add3A_0 : i32
    %add3A_2 = arith.addi %mul3A_1, %arg0 : i32
    %c0_i32 = arith.constant 0 : i32
    %c0_i32_3 = arith.constant 0 : i32
    return %add3A_2, %c0_i32 : i32, i32
  }
}

module attributes {stable_mosaic.version = 14 : i64} {
  func.func @_ln_body(%arg0: i32, %arg1: i32, %arg2: memref<4x4xi32, #tpu.memory_space<smem>>, %arg3: memref<512x1xi32, #tpu.memory_space<vmem>>, %arg4: memref<512x768xf32, #tpu.memory_space<vmem>>, %arg5: memref<2304x768xbf16, #tpu.memory_space<vmem>>, %arg6: memref<2x768xf32, #tpu.memory_space<vmem>>, %arg7: memref<1x768xf32, #tpu.memory_space<vmem>>, %arg8: memref<1x768xf32, #tpu.memory_space<vmem>>, %arg9: memref<512x768xf32, #tpu.memory_space<vmem>>) attributes {dimension_semantics = [#tpu.dimension_semantics<arbitrary>, #tpu.dimension_semantics<arbitrary>], iteration_bounds = array<i64: 4, 2>, scalar_prefetch = 1 : i64, scratch_operands = 0 : i64, tpu.core_type = #tpu.core_type<tc>, window_params = [{transform_indices = @transform_0, window_bounds = array<i64: 512, 1>}, {transform_indices = @transform_1, window_bounds = array<i64: 512, 768>}, {pipeline_mode = #tpu.pipeline_mode<synchronous>, transform_indices = @transform_2, window_bounds = array<i64: 2304, 768>}, {pipeline_mode = #tpu.pipeline_mode<synchronous>, transform_indices = @transform_3, window_bounds = array<i64: 2, 768>}, {pipeline_mode = #tpu.pipeline_mode<synchronous>, transform_indices = @transform_4, window_bounds = array<i64: 1, 768>}, {pipeline_mode = #tpu.pipeline_mode<synchronous>, transform_indices = @transform_5, window_bounds = array<i64: 1, 768>}, {transform_indices = @transform_6, window_bounds = array<i64: 512, 768>}]} {
    %add3A = arith.constant 0 : i32
    %add3A_0 = arith.addi %arg1, %add3A : i32
    %get3A = arith.index_cast %add3A_0 : i32 to index
    %get3A_1 = arith.index_cast %arg0 : i32 to index
    %get3A_2 = memref.load %arg2[%get3A, %get3A_1] : memref<4x4xi32, #tpu.memory_space<smem>>
    %get3A_3 = arith.constant 0 : index
    %get3A_4 = arith.constant 0 : index
    %get3A_5 = vector.load %arg3[%get3A_3, %get3A_4] : memref<512x1xi32, #tpu.memory_space<vmem>>, vector<512x1xi32>
    %mul3A = arith.constant 256 : i32
    %mul3A_6 = arith.muli %get3A_2, %mul3A : i32
    %get3A_7 = arith.index_cast %mul3A_6 : i32 to index
    %get3A_8 = arith.constant 0 : index
    %get3A_9 = vector.load %arg5[%get3A_7, %get3A_8] : memref<2304x768xbf16, #tpu.memory_space<vmem>>, vector<768x768xbf16>
    %mul3A_10 = arith.constant 256 : i32
    %mul3A_11 = arith.muli %get3A_2, %mul3A_10 : i32
    %sub3A = vector.broadcast %mul3A_11 : i32 to vector<512x1xi32>
    %sub3A_12 = arith.subi %get3A_5, %sub3A : vector<512x1xi32>
    %iota3A = tpu.iota {dimensions = array<i32: 1>} : vector<512x768xi32>
    %eq3A = vector.broadcast %sub3A_12 : vector<512x1xi32> to vector<512x768xi32>
    %eq3A_13 = arith.cmpi eq, %eq3A, %iota3A : vector<512x768xi32>
    %convert_element_type3A = arith.extui %eq3A_13 : vector<512x768xi1> to vector<512x768xi32>
    %convert_element_type3A_14 = arith.sitofp %convert_element_type3A : vector<512x768xi32> to vector<512x768xf32>
    %convert_element_type3A_15 = arith.truncf %convert_element_type3A_14 : vector<512x768xf32> to vector<512x768xbf16>
    %dot_general3A = arith.constant dense<0.000000e+00> : vector<512x768xf32>
    %dot_general3A_16 = tpu.matmul %convert_element_type3A_15, %get3A_9, %dot_general3A {dimension_numbers = #tpu.dot_dimension_numbers<[1], [0], [0], [1], [0, 0, 1, 1], [], []>, transpose_lhs_hint = false} : vector<512x768xbf16>, vector<768x768xbf16>, vector<512x768xf32> -> vector<512x768xf32>
    %gt3A = arith.constant 0 : i32
    %gt3A_17 = arith.cmpi sgt, %get3A_2, %gt3A : i32
    %jit3A = arith.constant 1.000000e+00 : f32
    %jit3A_18 = arith.constant 0.000000e+00 : f32
    %select_n3A = arith.select %gt3A_17, %jit3A, %jit3A_18 : f32
    %eq3A_19 = arith.constant 1 : i32
    %eq3A_20 = vector.broadcast %eq3A_19 : i32 to vector<512x1xi32>
    %eq3A_21 = arith.cmpi eq, %get3A_5, %eq3A_20 : vector<512x1xi32>
    %convert_element_type3A_22 = arith.extui %eq3A_21 : vector<512x1xi1> to vector<512x1xi32>
    %convert_element_type3A_23 = arith.sitofp %convert_element_type3A_22 : vector<512x1xi32> to vector<512x1xf32>
    %mul3A_24 = vector.broadcast %select_n3A : f32 to vector<512x1xf32>
    %mul3A_25 = arith.mulf %mul3A_24, %convert_element_type3A_23 : vector<512x1xf32>
    %get3A_26 = arith.constant 1 : index
    %get3A_27 = arith.constant 0 : index
    %get3A_28 = vector.load %arg5[%get3A_26, %get3A_27] : memref<2304x768xbf16, #tpu.memory_space<vmem>>, vector<1x768xbf16>
    %get3A_29 = vector.shape_cast %get3A_28 : vector<1x768xbf16> to vector<768xbf16>
    %broadcast_in_dim3A = vector.shape_cast %get3A_29 : vector<768xbf16> to vector<1x768xbf16>
    %convert_element_type3A_30 = arith.extf %broadcast_in_dim3A : vector<1x768xbf16> to vector<1x768xf32>
    %mul3A_31 = vector.broadcast %mul3A_25 : vector<512x1xf32> to vector<512x768xf32>
    %mul3A_32 = vector.broadcast %convert_element_type3A_30 : vector<1x768xf32> to vector<512x768xf32>
    %mul3A_33 = arith.mulf %mul3A_31, %mul3A_32 : vector<512x768xf32>
    %get3A_34 = arith.constant 0 : index
    %get3A_35 = arith.constant 0 : index
    %get3A_36 = vector.load %arg4[%get3A_34, %get3A_35] : memref<512x768xf32, #tpu.memory_space<vmem>>, vector<512x768xf32>
    %add3A_37 = arith.addf %get3A_36, %dot_general3A_16 : vector<512x768xf32>
    %add3A_38 = arith.addf %add3A_37, %mul3A_33 : vector<512x768xf32>
    %get3A_39 = arith.constant 0 : index
    %get3A_40 = arith.constant 0 : index
    %get3A_41 = vector.load %arg6[%get3A_39, %get3A_40] : memref<2x768xf32, #tpu.memory_space<vmem>>, vector<1x768xf32>
    %get3A_42 = vector.shape_cast %get3A_41 : vector<1x768xf32> to vector<768xf32>
    %broadcast_in_dim3A_43 = vector.shape_cast %get3A_42 : vector<768xf32> to vector<1x768xf32>
    %add3A_44 = vector.broadcast %broadcast_in_dim3A_43 : vector<1x768xf32> to vector<512x768xf32>
    %add3A_45 = arith.addf %add3A_38, %add3A_44 : vector<512x768xf32>
    %reduce_sum3A = arith.constant dense<0.000000e+00> : vector<512xf32>
    %reduce_sum3A_46 = vector.multi_reduction <add>, %add3A_45, %reduce_sum3A [1] : vector<512x768xf32> to vector<512xf32>
    %broadcast_in_dim3A_47 = vector.shape_cast %reduce_sum3A_46 : vector<512xf32> to vector<512x1xf32>
    %div3A = arith.constant 7.680000e+02 : f32
    %div3A_48 = vector.broadcast %div3A : f32 to vector<512x1xf32>
    %div3A_49 = arith.divf %broadcast_in_dim3A_47, %div3A_48 : vector<512x1xf32>
    %sub3A_50 = vector.broadcast %div3A_49 : vector<512x1xf32> to vector<512x768xf32>
    %sub3A_51 = arith.subf %add3A_45, %sub3A_50 : vector<512x768xf32>
    %mul3A_52 = arith.mulf %sub3A_51, %sub3A_51 : vector<512x768xf32>
    %reduce_sum3A_53 = arith.constant dense<0.000000e+00> : vector<512xf32>
    %reduce_sum3A_54 = vector.multi_reduction <add>, %mul3A_52, %reduce_sum3A_53 [1] : vector<512x768xf32> to vector<512xf32>
    %broadcast_in_dim3A_55 = vector.shape_cast %reduce_sum3A_54 : vector<512xf32> to vector<512x1xf32>
    %div3A_56 = arith.constant 7.680000e+02 : f32
    %div3A_57 = vector.broadcast %div3A_56 : f32 to vector<512x1xf32>
    %div3A_58 = arith.divf %broadcast_in_dim3A_55, %div3A_57 : vector<512x1xf32>
    %add3A_59 = arith.constant 9.99999996E-13 : f32
    %add3A_60 = vector.broadcast %add3A_59 : f32 to vector<512x1xf32>
    %add3A_61 = arith.addf %div3A_58, %add3A_60 : vector<512x1xf32>
    %rsqrt3A = math.rsqrt %add3A_61 : vector<512x1xf32>
    %mul3A_62 = vector.broadcast %rsqrt3A : vector<512x1xf32> to vector<512x768xf32>
    %mul3A_63 = arith.mulf %sub3A_51, %mul3A_62 : vector<512x768xf32>
    %get3A_64 = arith.constant 0 : index
    %get3A_65 = arith.constant 0 : index
    %get3A_66 = vector.load %arg7[%get3A_64, %get3A_65] : memref<1x768xf32, #tpu.memory_space<vmem>>, vector<1x768xf32>
    %get3A_67 = vector.shape_cast %get3A_66 : vector<1x768xf32> to vector<768xf32>
    %broadcast_in_dim3A_68 = vector.shape_cast %get3A_67 : vector<768xf32> to vector<1x768xf32>
    %mul3A_69 = vector.broadcast %broadcast_in_dim3A_68 : vector<1x768xf32> to vector<512x768xf32>
    %mul3A_70 = arith.mulf %mul3A_63, %mul3A_69 : vector<512x768xf32>
    %get3A_71 = arith.constant 0 : index
    %get3A_72 = arith.constant 0 : index
    %get3A_73 = vector.load %arg8[%get3A_71, %get3A_72] : memref<1x768xf32, #tpu.memory_space<vmem>>, vector<1x768xf32>
    %get3A_74 = vector.shape_cast %get3A_73 : vector<1x768xf32> to vector<768xf32>
    %broadcast_in_dim3A_75 = vector.shape_cast %get3A_74 : vector<768xf32> to vector<1x768xf32>
    %add3A_76 = vector.broadcast %broadcast_in_dim3A_75 : vector<1x768xf32> to vector<512x768xf32>
    %add3A_77 = arith.addf %mul3A_70, %add3A_76 : vector<512x768xf32>
    %swap3A = arith.constant 0 : index
    %swap3A_78 = arith.constant 0 : index
    %swap3A_79 = vector.load %arg9[%swap3A, %swap3A_78] : memref<512x768xf32, #tpu.memory_space<vmem>>, vector<512x768xf32>
    tpu.vector_store %arg9[%swap3A, %swap3A_78], %add3A_77 {strides = array<i32>} : memref<512x768xf32, #tpu.memory_space<vmem>>, vector<512x768xf32>,
    return
  }
  func.func @transform_0(%arg0: i32, %arg1: i32, %arg2: memref<4x4xi32, #tpu.memory_space<smem>>) -> (i32, i32) {
    %add3A = arith.constant 0 : i32
    %add3A_0 = arith.addi %arg1, %add3A : i32
    %mul3A = arith.constant 4 : i32
    %mul3A_1 = arith.muli %mul3A, %add3A_0 : i32
    %add3A_2 = arith.addi %mul3A_1, %arg0 : i32
    %c0_i32 = arith.constant 0 : i32
    %c0_i32_3 = arith.constant 0 : i32
    return %add3A_2, %c0_i32 : i32, i32
  }
  func.func @transform_1(%arg0: i32, %arg1: i32, %arg2: memref<4x4xi32, #tpu.memory_space<smem>>) -> (i32, i32) {
    %mul3A = arith.constant 4 : i32
    %mul3A_0 = arith.muli %mul3A, %arg1 : i32
    %add3A = arith.addi %mul3A_0, %arg0 : i32
    %c0_i32 = arith.constant 0 : i32
    %c0_i32_1 = arith.constant 0 : i32
    return %add3A, %c0_i32 : i32, i32
  }
  func.func @transform_2(%arg0: i32, %arg1: i32, %arg2: memref<4x4xi32, #tpu.memory_space<smem>>) -> (i32, i32) {
    %c0_i32 = arith.constant 0 : i32
    %c0_i32_0 = arith.constant 0 : i32
    %c0_i32_1 = arith.constant 0 : i32
    return %c0_i32, %c0_i32_0 : i32, i32
  }
  func.func @transform_3(%arg0: i32, %arg1: i32, %arg2: memref<4x4xi32, #tpu.memory_space<smem>>) -> (i32, i32) {
    %c0_i32 = arith.constant 0 : i32
    %c0_i32_0 = arith.constant 0 : i32
    %c0_i32_1 = arith.constant 0 : i32
    return %c0_i32, %c0_i32_0 : i32, i32
  }
  func.func @transform_4(%arg0: i32, %arg1: i32, %arg2: memref<4x4xi32, #tpu.memory_space<smem>>) -> (i32, i32) {
    %c0_i32 = arith.constant 0 : i32
    %c0_i32_0 = arith.constant 0 : i32
    %c0_i32_1 = arith.constant 0 : i32
    return %c0_i32, %c0_i32_0 : i32, i32
  }
  func.func @transform_5(%arg0: i32, %arg1: i32, %arg2: memref<4x4xi32, #tpu.memory_space<smem>>) -> (i32, i32) {
    %c0_i32 = arith.constant 0 : i32
    %c0_i32_0 = arith.constant 0 : i32
    %c0_i32_1 = arith.constant 0 : i32
    return %c0_i32, %c0_i32_0 : i32, i32
  }
  func.func @transform_6(%arg0: i32, %arg1: i32, %arg2: memref<4x4xi32, #tpu.memory_space<smem>>) -> (i32, i32) {
    %add3A = arith.constant 0 : i32
    %add3A_0 = arith.addi %arg1, %add3A : i32
    %mul3A = arith.constant 4 : i32
    %mul3A_1 = arith.muli %mul3A, %add3A_0 : i32
    %add3A_2 = arith.addi %mul3A_1, %arg0 : i32
    %c0_i32 = arith.constant 0 : i32
    %c0_i32_3 = arith.constant 0 : i32
    return %add3A_2, %c0_i32 : i32, i32
  }
}

</mosaic_0001>

<sc_bundles>
// kernel: kernel.10.cloned.1.call-start
scs
__scs_entry_jumppad:
0x0: {  	(pc) =	sbr.rel $0x88, $3  }
0x1: {  	(tag) =	ssettag $0x0;
	lr =	simm.s32 $0x1  }
0x2: {  	[smem:$0x3F9B] =	sst lr;
	_ =	strace $0xD0000000  }
0x3: {  	_ = 	snop  }
0x4: {  	_ = 	snop  }
0x5: {  	_ = 	snop  }
0x6: {  	_ = 	snop  }
0x7: {  	_ = 	snop  }
__scs_overlays_trampoline_lowered:
0x8: {  	[smem:$0x3FAA] =	sst s0  }
0x9: {  	[smem:$0x3FAB] =	sst s1  }
0xa: {  	[smem:$0x3FAC] =	sst s2  }
0xb: {  	[smem:$0x3FAD] =	sst s3  }
0xc: {  	[smem:$0x3FAE] =	sst s4  }
0xd: {  	[smem:$0x3FAF] =	sst s5  }
0xe: {  	[smem:$0x3FB0] =	sst s6  }
0xf: {  	[smem:$0x3FB1] =	sst s7  }
0x10: {  	[smem:$0x3FB2] =	sst s8  }
0x11: {  	[smem:$0x3FB3] =	sst s9;
	s0 =	simm.s32 @!p0 $0x0  }
0x12: {  	s1 =	sld [smem:$0x3F99];
	s0 =	simm.s32 @p0 $0x1  }
0x13: {  	[smem:$0x3FB4] =	sst s0;
	s0 =	simm.s32 @!p1 $0x0  }
0x14: {  	s2 =	sld [smem:$0x3F98];
	s0 =	simm.s32 @p1 $0x1  }
0x15: {  	[smem:$0x3FB5] =	sst s0;
	s0 =	simm.s32 @!p2 $0x0  }
0x16: {  	s3 =	sld [smem:$0x3FDB];
	s0 =	simm.s32 @p2 $0x1  }
0x17: {  	s4 =	simm.s32 $0x1BF5;
	[smem:$0x3FB7] =	sst s0  }
0x18: {  	s0 =	sld [smem:$0x3F9A];
	_ =	swait.ge [sflag:s4], $0x0  }
0x19: {  	s7 =	sld [smem:$0x3F9B]  }
0x1a: {  	s8 =	sadd.s32 $0xFFFFE003, lr  }
0x1b: {  	s9 =	sadd.s32 $0xFFFFFEF7, lr;
	s5 =	simm.s32 $0xFFFFFFFF;
	p2 =	slt.u32 s8, $0xFFFFF086  }
0x1c: {  	p1 =	slt.u32 s9, $0xF7A;
	s5 =	simm.s32 @!p2 $0x0  }
0x1d: {  	s5 =	simm.s32 @p1 $0x1;
	p0 =	seq.s32 s7, s2  }
0x1e: {  	s7 =	smul.u32 @!p0 $0xF7A, s2;
	p2 =	seq.s32 @!p0 s5, $0x0  }
0x1f: {  	s9 =	smul.u32 $0xF7A, s1;
	s8 =	simm.s32 @!p0 $0x1BF5;
	p2 =	por !p2, p0  }
0x20: {  	[sflag:s8] =	ssyncset.s32 @!p0 $0xFFFFF086;
	s6 =	sadd.s32 @!p0 s3, s7;
	s7 =	simm.s32 @!p0 $0x108  }
0x21: {  	s3 =	sadd.s32 s3, s9;
	s6 =	sadd.s32 @!p0 $0x88, s6;
	s7 =	simm.s32 @p2 $0x1082  }
0x22: {  	[simem:s7], [sflag:s8] =	dma.local @!p0 [hbm:s6], $0xF7A  }
0x23: {  	s9 =	sor.u32 $0xD0000000, s2;
	s6 =	simm.s32 $0x108;
	_ =	swait.ge @!p0 [sflag:s8], $0x0  }
0x24: {  	s3 =	sadd.s32 $0x88, s3;
	s6 =	simm.s32 @!p1 $0x1082;
	[sflag:s4] =	ssyncset.s32 $0xFFFFF086  }
0x25: {  	[simem:s6], [sflag:s4] =	dma.local [hbm:s3], $0xF7A  }
0x26: {  	[smem:$0x3F9B] =	sst s1;
	(tag) =	ssettag s2;
	_ =	strace s9  }
0x27: {  	s1 =	sld [smem:$0x3FAB]  }
0x28: {  	s2 =	sld [smem:$0x3FAC]  }
0x29: {  	s4 =	sld [smem:$0x3FAE]  }
0x2a: {  	p0 =	seq.s32 s5, $0x0;
	s5 =	sld [smem:$0x3FAF]  }
0x2b: {  	s6 =	sld [smem:$0x3FB0]  }
0x2c: {  	s7 =	sld [smem:$0x3FB1]  }
0x2d: {  	s3 =	simm.s32 $0x108;
	s8 =	sld [smem:$0x3FB2]  }
0x2e: {  	s3 =	simm.s32 @!p0 $0x1082;
	s9 =	sld [smem:$0x3FB3]  }
0x2f: {  	lr =	sadd.s32 s0, s3;
	s0 =	sld [smem:$0x3FAA]  }
0x30: {  	s3 =	sld [smem:$0x3FAD]  }
0x31: {  	[smem:$0x3FB6] =	sst s10  }
0x32: {  	s10 =	sld [smem:$0x3FB4];
	_ =	sdelay $0x3  }
0x33: {  	p0 =	seq.s32 s10, $0x1;
	s10 =	sld [smem:$0x3FB6];
	_ =	sdelay $0x3  }
0x34: {  	[smem:$0x3FB6] =	sst s10  }
0x35: {  	s10 =	sld [smem:$0x3FB5];
	_ =	sdelay $0x3  }
0x36: {  	p1 =	seq.s32 s10, $0x1;
	s10 =	sld [smem:$0x3FB6];
	_ =	sdelay $0x3  }
0x37: {  	[smem:$0x3FB6] =	sst s10  }
0x38: {  	s10 =	sld [smem:$0x3FB7]  }
0x39: {  	_ = 	snop;
	(pc) =	sbr.ind lr, $3  }
0x3a: {  	_ = 	snop  }
0x3b: {  	_ = 	snop  }
0x3c: {  	p2 =	seq.s32 s10, $0x1;
	s10 =	sld [smem:$0x3FB6]  }
0x3d: {  	_ =	shalt  }
0x3e: {  	_ =	shalt  }
0x3f: {  	_ =	shalt  }
0x40: {  	_ =	shalt  }
0x41: {  	_ =	shalt  }
0x42: {  	_ =	shalt  }
0x43: {  	_ =	shalt  }
0x44: {  	_ =	shalt  }
0x45: {  	_ =	shalt  }
0x46: {  	_ =	shalt  }
0x47: {  	_ =	shalt  }
0x48: {  	_ =	shalt  }
0x49: {  	_ =	shalt  }
0x4a: {  	_ =	shalt  }
0x4b: {  	_ =	shalt  }
0x4c: {  	_ =	shalt  }
0x4d: {  	_ =	shalt  }
0x4e: {  	_ =	shalt  }
0x4f: {  	_ =	shalt  }
0x50: {  	_ =	shalt  }
0x51: {  	_ =	shalt  }
0x52: {  	_ =	shalt  }
0x53: {  	_ =	shalt  }
0x54: {  	_ =	shalt  }
0x55: {  	_ =	shalt  }
0x56: {  	_ =	shalt  }
0x57: {  	_ =	shalt  }
0x58: {  	_ =	shalt  }
0x59: {  	_ =	shalt  }
0x5a: {  	_ =	shalt  }
0x5b: {  	_ =	shalt  }
0x5c: {  	_ =	shalt  }
0x5d: {  	_ =	shalt  }
0x5e: {  	_ =	shalt  }
0x5f: {  	_ =	shalt  }
0x60: {  	_ =	shalt  }
0x61: {  	_ =	shalt  }
0x62: {  	_ =	shalt  }
0x63: {  	_ =	shalt  }
0x64: {  	_ =	shalt  }
0x65: {  	_ =	shalt  }
0x66: {  	_ =	shalt  }
0x67: {  	_ =	shalt  }
0x68: {  	_ =	shalt  }
0x69: {  	_ =	shalt  }
0x6a: {  	_ =	shalt  }
0x6b: {  	_ =	shalt  }
0x6c: {  	_ =	shalt  }
0x6d: {  	_ =	shalt  }
0x6e: {  	_ =	shalt  }
0x6f: {  	_ =	shalt  }
0x70: {  	_ =	shalt  }
0x71: {  	_ =	shalt  }
0x72: {  	_ =	shalt  }
0x73: {  	_ =	shalt  }
0x74: {  	_ =	shalt  }
0x75: {  	_ =	shalt  }
0x76: {  	_ =	shalt  }
0x77: {  	_ =	shalt  }
0x78: {  	_ =	shalt  }
0x79: {  	_ =	shalt  }
0x7a: {  	_ =	shalt  }
0x7b: {  	_ =	shalt  }
0x7c: {  	_ =	shalt  }
0x7d: {  	_ =	shalt  }
0x7e: {  	_ =	shalt  }
0x7f: {  	_ =	shalt  }
0x80: {  	_ =	shalt  }
0x81: {  	_ =	shalt  }
0x82: {  	_ =	shalt  }
0x83: {  	_ =	shalt  }
0x84: {  	_ =	shalt  }
0x85: {  	_ =	shalt  }
0x86: {  	_ =	shalt  }
0x87: {  	_ =	shalt  }
.Lfunc_end0:
.L_simem_size_0:
called_computation.1_lowered:
.L_overlay_start_0:
0x88: {  	s2 =	sld [smem:$0x3FD9]  }
0x89: {  	s3 =	sld [smem:$0x3FFE];
	_ =	sdelay $0x1  }
0x8a: {  	s1 =	srdreg.scid  }
0x8b: {  	s0 =	sand.u32 $0x1, s1  }
0x8c: {  	s17 =	sshll.u32 s0, $0xA;
	s2 =	sadd.s32 s3, s2  }
0x8d: {  	s2 =	sadd.s32 s2, s17  }
0x8e: {  	[smem:$0x3FC2] =	sst s2  }
0x8f: {  	_ = 	snop  }
0x90: {  	s18 =	sld [smem:$0x3FC8];
	(tm) =	ssettm $0x1  }
0x91: {  	s19 =	sld [smem:$0x3FFB];
	_ =	sdelay $0x3  }
0x92: {  	_ =	strace s19  }
0x93: {  	s2 =	sld [smem:$0x3FFC];
	_ =	sdelay $0x3  }
0x94: {  	_ =	strace s2  }
0x95: {  	s2 =	sld [smem:$0x3FFD];
	_ =	sdelay $0x3  }
0x96: {  	_ =	strace s2  }
0x97: {  	_ =	strace $0x8FFFFFFF  }
0x98: {  	s20 =	sld [smem:$0x3FDB];
	_ =	sdelay $0x1  }
0x99: {  	s4 =	simm.s32 $_scs_section_size  }
0x9a: {  	s5 =	simm.s32 $_size__tile_overlayer_lowered;
	s6 =	simm.s32 $_tile_overlayer_lowered  }
0x9b: {  	s7 =	simm.s32 $0x1BFF;
	s21 =	sshll.u32 s6, $0x1;
	s4 =	sadd.s32 s4, s20  }
0x9c: {  	s22 =	simm.s32 $0x0;
	s5 =	sshll.u32 s5, $0x1;
	s6 =	sadd.s32 s21, s4  }
0x9d: {  	[timem:s22], [sflag:s7] =	dma.local [hbm:s6], s5  }
0x9e: {  	_ =	swait.ge [sflag:s7], s5  }
0x9f: {  	s5 =	ssub.s32 $0x0, s5;
	[sflag:s7] =	ssyncset.done $0x0  }
0xa0: {  	[sflag:s7] =	ssyncadd.s32 s5;
	_ =	sdelay $0x1  }
0xa1: {  	s23 =	simm.s32 $0x1B8B  }
0xa2: {  	_ =	swait.ge [sflag:s23], $0x1  }
0xa3: {  	[sflag:s23] =	ssyncset.done $0x0  }
0xa4: {  	[sflag:s23] =	ssyncadd.s32 $0xFFFFFFFF  }
0xa5: {  	s5 =	sld [smem:$0x0]  }
0xa6: {  	s6 =	sand.u32 $0xFFFFFFFE, s1  }
0xa7: {  	p0 =	sne.s32 s1, s6  }
0xa8: {  	s6 =	sshll.u32 @p0 s6, $0xE  }
0xa9: {  	s6 =	sadd.s32 @p0 $0x11B8D, s6;
	s7 =	sshll.u32 @p0 s5, $0x11  }
0xaa: {  	s6 =	sor.u32 @p0 s7, s6  }
0xab: {  	[sflag:s6] =	ssyncadd.remote.s32 @p0 $0x1;
	_ =	sdelay $0x1  }
0xac: {  	s6 =	simm.s32 @p0 $0x1B8D  }
0xad: {  	_ =	swait.eq @p0 [sflag:s6], $0x1  }
0xae: {  	[sflag:s6] =	ssyncadd.s32 @p0 $0xFFFFFFFF  }
0xaf: {  	s7 =	sshll.u32 @!p0 s1, $0xE  }
0xb0: {  	s7 =	sor.u32 @!p0 $0x4000, s7;
	s6 =	simm.s32 @!p0 $0x1B8D  }
0xb1: {  	s5 =	sshll.u32 @!p0 s5, $0x11;
	s7 =	sadd.s32 @!p0 $0x11B8D, s7;
	_ =	swait.eq @!p0 [sflag:s6], $0x1  }
0xb2: {  	s5 =	sor.u32 @!p0 s5, s7;
	[sflag:s6] =	ssyncadd.s32 @!p0 $0xFFFFFFFF  }
0xb3: {  	s25 =	simm.s32 $0x1B8E;
	s24 =	sld [smem:$0x3FFE];
	[sflag:s5] =	ssyncadd.remote.s32 @!p0 $0x1  }
0xb4: {  	s26 =	simm.s32 $execute0_lowered;
	[smem:$0x3FD2] =	sst s25  }
0xb5: {  	s6 =	sshll.u32 s26, $0x1;
	_ =	strace $0x80000049;
	[dreg:$0x1] =	wrdreg $0xFFFFFFFF  }
0xb6: {  	s28 =	simm.s32 $_size_execute0_lowered;
	s4 =	sadd.s32 s4, s6;
	[dreg:$0x0] =	wrdreg $0x0  }
0xb7: {  	s6 =	sshll.u32 s28, $0x1;
	[dreg:$0x2] =	wrdreg s4  }
0xb8: {  	[dreg:$0x3] =	wrdreg s6  }
0xb9: {  	[dreg:$0x4] =	wrdreg $0xC0  }
0xba: {  	_ =	task [dreg:s22], $0x5FFFF  }
0xbb: {  	[dreg:$0x1] =	wrdreg $0xFFFFFFFF  }
0xbc: {  	[dreg:$0x0] =	wrdreg $0x60  }
0xbd: {  	[dreg:$0x2] =	wrdreg s18  }
0xbe: {  	[dreg:$0x3] =	wrdreg s24  }
0xbf: {  	[dreg:$0x4] =	wrdreg $0xA  }
0xc0: {  	_ =	task.clear_ibuf [dreg:s22], $0x5FFFF;
	_ =	strace $0x90000049  }
0xc1: {  	s29 =	simm.s32 $0xA;
	_ =	strace $0x8000004B  }
0xc2: {  	_ =	swait.ge [sflag:s29], $0x1  }
0xc3: {  	[sflag:s29] =	ssyncadd.s32 $0xFFFFFFFF  }
0xc4: {  	_ =	strace $0x9000004B  }
0xc5: {  	_ =	sfence  }
0xc6: {  	s30 =	sld [smem:$0x0];
	_ =	sdelay $0x2  }
0xc7: {  	s31 =	sshll.u32 s1, $0xD;
	s1 =	sshrl.u32 s1, $0x2  }
0xc8: {  	s4 =	sand.u32 $0x4000, s31;
	s1 =	sadd.s32 s1, s30  }
0xc9: {  	s0 =	sor.u32 s4, s0;
	s1 =	sshll.u32 s1, $0x11  }
0xca: {  	s0 =	sor.u32 s1, s0  }
0xcb: {  	s0 =	sadd.s32 $0x8F2B, s0  }
0xcc: {  	[sflag:s0] =	ssyncadd.remote.s32 $0x1  }
0xcd: {  	_ =	sfence.sel $0xFFFF  }
0xce: {  	[dreg:$0x0] =	wrdreg $0xFFFFFFFF;
	(pc) =	sbr.abs _section_cstart, $3  }
0xcf: {  	[dreg:$0x1] =	wrdreg $0xFFFFFFFF  }
0xd0: {  	_ =	task.clear_ibuf [dreg:s22], $0x2FFFF;
	_ =	strace $0x9FFFFFFF  }
0xd1: {  	(tm) =	ssettm $0x7FFFFFFF  }
tec
execute0_lowered:
.L_overlay_start_1:
0x0: {  	(tag) =	ssettag $0x1  }
0x1: {  	s1 =	srdreg.scid  }
0x2: {  	s0 =	stileid.u32;
	s1 =	sand.u32 $0x1, s1  }
0x3: {  	s2 =	rddreg [dreg:$0x0];
	s3 =	sshll.u32 s0, $0x5;
	s4 =	sshll.u32 s1, $0x4  }
0x4: {  	s5 =	rddreg [dreg:$0x1];
	s4 =	sor.u32 s4, s3;
	s3 =	simm.s32 $0x0  }
0x5: {  	s25 =	simm.s32 $0x880;
	[smem:$0x7FF] =	sst s3  }
0x6: {  	s26 =	simm.s32 $0x1080;
	_ =	strace $0x8000004A;
	[dreg:$0x5] =	wrdreg s25  }
0x7: {  	s0 =	simm.s32 $0x1880;
	[dreg:$0x6] =	wrdreg s26  }
0x8: {  	s7 =	simm.s32 $0x3080;
	[dreg:$0x7] =	wrdreg s0  }
0x9: {  	s8 =	simm.s32 $0x3880;
	[dreg:$0xa] =	wrdreg s7  }
0xa: {  	s9 =	simm.s32 $0x4080;
	[dreg:$0xb] =	wrdreg s8  }
0xb: {  	s10 =	simm.s32 $0x4880;
	[dreg:$0xc] =	wrdreg s9  }
0xc: {  	s11 =	simm.s32 $0x5080;
	[dreg:$0xd] =	wrdreg s10  }
0xd: {  	s12 =	simm.s32 $0x5880;
	s13 =	simm.s32 $0x6080;
	[dreg:$0xe] =	wrdreg s11  }
0xe: {  	s14 =	simm.s32 $0x6880;
	s15 =	simm.s32 $0x7080;
	[dreg:$0xf] =	wrdreg s12  }
0xf: {  	s16 =	simm.s32 $0x7880;
	s17 =	simm.s32 $0x8080;
	[dreg:$0x10] =	wrdreg s13  }
0x10: {  	s18 =	simm.s32 $0x8880;
	s19 =	simm.s32 $0x9080;
	[dreg:$0x11] =	wrdreg s14  }
0x11: {  	s21 =	simm.s32 $0x9880;
	s22 =	simm.s32 $0xA080;
	[dreg:$0x12] =	wrdreg s15  }
0x12: {  	s23 =	simm.s32 $0xA880;
	s28 =	simm.s32 $0x16080;
	[dreg:$0x13] =	wrdreg s16  }
0x13: {  	s29 =	simm.s32 $0x16880;
	s30 =	simm.s32 $0x17080;
	[dreg:$0x14] =	wrdreg s17  }
0x14: {  	s31 =	simm.s32 $0x17880;
	s1 =	ssub.s32 $0x2, s1;
	[dreg:$0x15] =	wrdreg s18  }
0x15: {  	s20 =	sshrl.u32 s1, $0x1;
	s6 =	smul.u32 $0x300, s4;
	[dreg:$0x16] =	wrdreg s19  }
0x16: {  	s4 =	sadd.s32 s4, s5;
	s1 =	ssub.s32 s1, s20;
	[dreg:$0x17] =	wrdreg s21  }
0x17: {  	s20 =	simm.s32 $0x12880;
	s4 =	sadd.s32 $0x1A00, s4;
	[dreg:$0x18] =	wrdreg s22  }
0x18: {  	[dreg:$0x19] =	wrdreg s23;
	s7 =	simm.s32 $0xB080;
	s25 =	simm.s32 $0xC080  }
0x19: {  	s8 =	simm.s32 $0x80;
	s26 =	simm.s32 $0xC880;
	s10 =	simm.s32 $0xD880  }
0x1a: {  	s11 =	simm.s32 $0xE080;
	s12 =	simm.s32 $0xE880;
	s13 =	simm.s32 $0xF080  }
0x1b: {  	s14 =	simm.s32 $0xF880;
	s15 =	simm.s32 $0x10080;
	s16 =	simm.s32 $0x10880  }
0x1c: {  	s17 =	simm.s32 $0x11080;
	s18 =	simm.s32 $0x11880;
	s19 =	simm.s32 $0x12080  }
0x1d: {  	s21 =	simm.s32 $0x13080;
	s22 =	simm.s32 $0x13880;
	[dreg:$0x3] =	wrdreg s4  }
0x1e: {  	s23 =	simm.s32 $0x14080;
	s5 =	sadd.s32 s6, s5;
	[dreg:$0x1a] =	wrdreg s7  }
0x1f: {  	s6 =	simm.s32 $0x2880;
	s4 =	sadd.s32 $0x100, s2;
	[dreg:$0x1c] =	wrdreg s25  }
0x20: {  	s7 =	simm.s32 $0x2;
	[dreg:$0x1d] =	wrdreg s26;
	s25 =	simm.s32 $0x15080  }
0x21: {  	s26 =	simm.s32 $0x15880;
	s24 =	sadd.s32 $0x1C00, s5;
	[dreg:$0x9] =	wrdreg s6  }
0x22: {  	v2 =	vlaneseq.u32;
	s5 =	simm.s32 $0x2080;
	s6 =	smax.u32 s1, $0x1;
	[dreg:$0x4] =	wrdreg s24  }
0x23: {  	vm0 =	vmmov $0xffff;
	v1 =	vshrl.u32 v2, $0x3;
	s1 =	simm.s32 $0x1;
	[dreg:$0x8] =	wrdreg s5;
	s24 =	simm.s32 $0xB880  }
0x24: {  	v0 =	vand.u32 $0x7, v2;
	v2 =	vor.u32 $0x8, v2;
	v1 =	vmul.u32 $0x8, v1;
	s5 =	sadd.s32 $0x200, s2;
	[dreg:$0x1b] =	wrdreg s24;
	s24 =	simm.s32 $0x14880  }
.LBB2_1:
0x25: {  	s0 =	rddreg [dreg:$0x3]  }
0x26: {  	[tilespmem:s3], [sflag:$0x2] =	stream.linear.gather [hbm4b:s0+s3], $0x80, $0x38;
	[tilespmem:$0x18080] =	vst v63  }
0x27: {  	_ =	swait.ge [sflag:s7], $0x80  }
0x28: {  	[sflag:s7] =	ssyncset.done $0x0  }
0x29: {  	[sflag:s7] =	ssyncadd.s32 $0xFFFFFF80  }
0x2a: {  	v3 =	vld [tilespmem:$0x0];
	_ =	sdelay $0x4  }
0x2b: {  	v4 =	vshrl.u32 v3, $0x3  }
0x2c: {  	v4 =	vmul.u32 $0x30, v4  }
0x2d: {  	v3 =	vand.u32 $0x7, v3  }
0x2e: {  	v3 =	vor.u32 v3, v4  }
0x2f: {  	v4 =	vperm.xlane v3, v0;
	_ =	sdelay $0x1  }
0x30: {  	v4 =	vadd.s32 v1, v4;
	_ =	sdelay $0x3  }
0x31: {  	v3 =	vperm.xlane v3, v2  }
0x32: {  	[tilespmem:s8], [sflag:$0x1] =	stream.indirect_vreg.gather [hbm4b:s2+s3], $0x80, v4, vm0, $0xb8;
	[tilespmem:$0x18080] =	vst v63  }
0x33: {  	s0 =	rddreg [dreg:$0x5];
	v3 =	vadd.s32 v1, v3  }
0x34: {  	[tilespmem:s0], [sflag:$0x1] =	stream.indirect_vreg.gather [hbm4b:s4+s3], $0x80, v4, vm0, $0xb8;
	[tilespmem:$0x18080] =	vst v63  }
0x35: {  	s9 =	rddreg [dreg:$0x6]  }
0x36: {  	[tilespmem:s9], [sflag:$0x1] =	stream.indirect_vreg.gather [hbm4b:s5+s3], $0x80, v4, vm0, $0xb8;
	[tilespmem:$0x18080] =	vst v63  }
0x37: {  	s0 =	rddreg [dreg:$0x7]  }
0x38: {  	[tilespmem:s0], [sflag:$0x1] =	stream.indirect_vreg.gather [hbm4b:s2+s3], $0x80, v3, vm0, $0xb8;
	[tilespmem:$0x18080] =	vst v63  }
0x39: {  	s9 =	rddreg [dreg:$0x8]  }
0x3a: {  	[tilespmem:s9], [sflag:$0x1] =	stream.indirect_vreg.gather [hbm4b:s4+s3], $0x80, v3, vm0, $0xb8;
	[tilespmem:$0x18080] =	vst v63  }
0x3b: {  	s0 =	rddreg [dreg:$0x9]  }
0x3c: {  	[tilespmem:s0], [sflag:$0x1] =	stream.indirect_vreg.gather [hbm4b:s5+s3], $0x80, v3, vm0, $0xb8;
	[tilespmem:$0x18080] =	vst v63  }
0x3d: {  	v3 =	vld [tilespmem:$0x10];
	_ =	sdelay $0x4  }
0x3e: {  	v57 =	vshrl.u32 v3, $0x3  }
0x3f: {  	v4 =	vmul.u32 $0x30, v57  }
0x40: {  	v3 =	vand.u32 $0x7, v3  }
0x41: {  	v3 =	vor.u32 v3, v4  }
0x42: {  	v4 =	vperm.xlane v3, v0;
	_ =	sdelay $0x1  }
0x43: {  	v4 =	vadd.s32 v1, v4;
	_ =	sdelay $0x3  }
0x44: {  	s0 =	rddreg [dreg:$0xa];
	v3 =	vperm.xlane v3, v2  }
0x45: {  	[tilespmem:s0], [sflag:$0x1] =	stream.indirect_vreg.gather [hbm4b:s2+s3], $0x80, v4, vm0, $0xb8;
	[tilespmem:$0x18080] =	vst v63  }
0x46: {  	s9 =	rddreg [dreg:$0xb];
	v3 =	vadd.s32 v1, v3  }
0x47: {  	[tilespmem:s9], [sflag:$0x1] =	stream.indirect_vreg.gather [hbm4b:s4+s3], $0x80, v4, vm0, $0xb8;
	[tilespmem:$0x18080] =	vst v63  }
0x48: {  	s0 =	rddreg [dreg:$0xc]  }
0x49: {  	[tilespmem:s0], [sflag:$0x1] =	stream.indirect_vreg.gather [hbm4b:s5+s3], $0x80, v4, vm0, $0xb8;
	[tilespmem:$0x18080] =	vst v63  }
0x4a: {  	s9 =	rddreg [dreg:$0xd]  }
0x4b: {  	[tilespmem:s9], [sflag:$0x1] =	stream.indirect_vreg.gather [hbm4b:s2+s3], $0x80, v3, vm0, $0xb8;
	[tilespmem:$0x18080] =	vst v63  }
0x4c: {  	s0 =	rddreg [dreg:$0xe]  }
0x4d: {  	[tilespmem:s0], [sflag:$0x1] =	stream.indirect_vreg.gather [hbm4b:s4+s3], $0x80, v3, vm0, $0xb8;
	[tilespmem:$0x18080] =	vst v63  }
0x4e: {  	s9 =	rddreg [dreg:$0xf]  }
0x4f: {  	[tilespmem:s9], [sflag:$0x1] =	stream.indirect_vreg.gather [hbm4b:s5+s3], $0x80, v3, vm0, $0xb8;
	[tilespmem:$0x18080] =	vst v63  }
0x50: {  	v3 =	vld [tilespmem:$0x20];
	_ =	sdelay $0x4  }
0x51: {  	v58 =	vshrl.u32 v3, $0x3  }
0x52: {  	v4 =	vmul.u32 $0x30, v58  }
0x53: {  	v3 =	vand.u32 $0x7, v3  }
0x54: {  	v3 =	vor.u32 v3, v4  }
0x55: {  	v4 =	vperm.xlane v3, v0;
	_ =	sdelay $0x1  }
0x56: {  	v4 =	vadd.s32 v1, v4;
	_ =	sdelay $0x3  }
0x57: {  	s0 =	rddreg [dreg:$0x10];
	v3 =	vperm.xlane v3, v2  }
0x58: {  	[tilespmem:s0], [sflag:$0x1] =	stream.indirect_vreg.gather [hbm4b:s2+s3], $0x80, v4, vm0, $0xb8;
	[tilespmem:$0x18080] =	vst v63  }
0x59: {  	s9 =	rddreg [dreg:$0x11];
	v3 =	vadd.s32 v1, v3  }
0x5a: {  	[tilespmem:s9], [sflag:$0x1] =	stream.indirect_vreg.gather [hbm4b:s4+s3], $0x80, v4, vm0, $0xb8;
	[tilespmem:$0x18080] =	vst v63  }
0x5b: {  	s0 =	rddreg [dreg:$0x12]  }
0x5c: {  	[tilespmem:s0], [sflag:$0x1] =	stream.indirect_vreg.gather [hbm4b:s5+s3], $0x80, v4, vm0, $0xb8;
	[tilespmem:$0x18080] =	vst v63  }
0x5d: {  	s9 =	rddreg [dreg:$0x13]  }
0x5e: {  	[tilespmem:s9], [sflag:$0x1] =	stream.indirect_vreg.gather [hbm4b:s2+s3], $0x80, v3, vm0, $0xb8;
	[tilespmem:$0x18080] =	vst v63  }
0x5f: {  	s0 =	rddreg [dreg:$0x14]  }
0x60: {  	[tilespmem:s0], [sflag:$0x1] =	stream.indirect_vreg.gather [hbm4b:s4+s3], $0x80, v3, vm0, $0xb8;
	[tilespmem:$0x18080] =	vst v63  }
0x61: {  	s9 =	rddreg [dreg:$0x15]  }
0x62: {  	[tilespmem:s9], [sflag:$0x1] =	stream.indirect_vreg.gather [hbm4b:s5+s3], $0x80, v3, vm0, $0xb8;
	[tilespmem:$0x18080] =	vst v63  }
0x63: {  	v3 =	vld [tilespmem:$0x30];
	_ =	sdelay $0x4  }
0x64: {  	v59 =	vshrl.u32 v3, $0x3  }
0x65: {  	v4 =	vmul.u32 $0x30, v59  }
0x66: {  	v3 =	vand.u32 $0x7, v3  }
0x67: {  	v3 =	vor.u32 v3, v4  }
0x68: {  	v4 =	vperm.xlane v3, v0;
	_ =	sdelay $0x1  }
0x69: {  	v4 =	vadd.s32 v1, v4;
	_ =	sdelay $0x3  }
0x6a: {  	s0 =	rddreg [dreg:$0x16];
	v3 =	vperm.xlane v3, v2  }
0x6b: {  	[tilespmem:s0], [sflag:$0x1] =	stream.indirect_vreg.gather [hbm4b:s2+s3], $0x80, v4, vm0, $0xb8;
	[tilespmem:$0x18080] =	vst v63  }
0x6c: {  	s9 =	rddreg [dreg:$0x17];
	v3 =	vadd.s32 v1, v3  }
0x6d: {  	[tilespmem:s9], [sflag:$0x1] =	stream.indirect_vreg.gather [hbm4b:s4+s3], $0x80, v4, vm0, $0xb8;
	[tilespmem:$0x18080] =	vst v63  }
0x6e: {  	s0 =	rddreg [dreg:$0x18]  }
0x6f: {  	[tilespmem:s0], [sflag:$0x1] =	stream.indirect_vreg.gather [hbm4b:s5+s3], $0x80, v4, vm0, $0xb8;
	[tilespmem:$0x18080] =	vst v63  }
0x70: {  	s9 =	rddreg [dreg:$0x19]  }
0x71: {  	[tilespmem:s9], [sflag:$0x1] =	stream.indirect_vreg.gather [hbm4b:s2+s3], $0x80, v3, vm0, $0xb8;
	[tilespmem:$0x18080] =	vst v63  }
0x72: {  	s0 =	rddreg [dreg:$0x1a]  }
0x73: {  	[tilespmem:s0], [sflag:$0x1] =	stream.indirect_vreg.gather [hbm4b:s4+s3], $0x80, v3, vm0, $0xb8;
	[tilespmem:$0x18080] =	vst v63  }
0x74: {  	s9 =	rddreg [dreg:$0x1b]  }
0x75: {  	[tilespmem:s9], [sflag:$0x1] =	stream.indirect_vreg.gather [hbm4b:s5+s3], $0x80, v3, vm0, $0xb8;
	[tilespmem:$0x18080] =	vst v63  }
0x76: {  	v3 =	vld [tilespmem:$0x40];
	_ =	sdelay $0x4  }
0x77: {  	v60 =	vshrl.u32 v3, $0x3  }
0x78: {  	v4 =	vmul.u32 $0x30, v60  }
0x79: {  	v3 =	vand.u32 $0x7, v3  }
0x7a: {  	v3 =	vor.u32 v3, v4  }
0x7b: {  	v4 =	vperm.xlane v3, v0;
	_ =	sdelay $0x1  }
0x7c: {  	v4 =	vadd.s32 v1, v4;
	_ =	sdelay $0x3  }
0x7d: {  	s0 =	rddreg [dreg:$0x1c];
	v3 =	vperm.xlane v3, v2  }
0x7e: {  	[tilespmem:s0], [sflag:$0x1] =	stream.indirect_vreg.gather [hbm4b:s2+s3], $0x80, v4, vm0, $0xb8;
	[tilespmem:$0x18080] =	vst v63  }
0x7f: {  	s9 =	rddreg [dreg:$0x1d];
	v3 =	vadd.s32 v1, v3  }
0x80: {  	[tilespmem:s9], [sflag:$0x1] =	stream.indirect_vreg.gather [hbm4b:s4+s3], $0x80, v4, vm0, $0xb8;
	[tilespmem:$0x18080] =	vst v63  }
0x81: {  	s9 =	simm.s32 $0xD080  }
0x82: {  	[tilespmem:s9], [sflag:$0x1] =	stream.indirect_vreg.gather [hbm4b:s5+s3], $0x80, v4, vm0, $0xb8;
	[tilespmem:$0x18080] =	vst v63  }
0x83: {  	_ = 	snop  }
0x84: {  	[tilespmem:s10], [sflag:$0x1] =	stream.indirect_vreg.gather [hbm4b:s2+s3], $0x80, v3, vm0, $0xb8;
	[tilespmem:$0x18080] =	vst v63  }
0x85: {  	_ = 	snop  }
0x86: {  	[tilespmem:s11], [sflag:$0x1] =	stream.indirect_vreg.gather [hbm4b:s4+s3], $0x80, v3, vm0, $0xb8;
	[tilespmem:$0x18080] =	vst v63  }
0x87: {  	_ = 	snop  }
0x88: {  	[tilespmem:s12], [sflag:$0x1] =	stream.indirect_vreg.gather [hbm4b:s5+s3], $0x80, v3, vm0, $0xb8;
	[tilespmem:$0x18080] =	vst v63  }
0x89: {  	v3 =	vld [tilespmem:$0x50];
	_ =	sdelay $0x4  }
0x8a: {  	v61 =	vshrl.u32 v3, $0x3  }
0x8b: {  	v4 =	vmul.u32 $0x30, v61  }
0x8c: {  	v3 =	vand.u32 $0x7, v3  }
0x8d: {  	v3 =	vor.u32 v3, v4  }
0x8e: {  	v4 =	vperm.xlane v3, v0;
	_ =	sdelay $0x1  }
0x8f: {  	v4 =	vadd.s32 v1, v4;
	_ =	sdelay $0x3  }
0x90: {  	v3 =	vperm.xlane v3, v2  }
0x91: {  	[tilespmem:s13], [sflag:$0x1] =	stream.indirect_vreg.gather [hbm4b:s2+s3], $0x80, v4, vm0, $0xb8;
	[tilespmem:$0x18080] =	vst v63  }
0x92: {  	v3 =	vadd.s32 v1, v3  }
0x93: {  	[tilespmem:s14], [sflag:$0x1] =	stream.indirect_vreg.gather [hbm4b:s4+s3], $0x80, v4, vm0, $0xb8;
	[tilespmem:$0x18080] =	vst v63  }
0x94: {  	_ = 	snop  }
0x95: {  	[tilespmem:s15], [sflag:$0x1] =	stream.indirect_vreg.gather [hbm4b:s5+s3], $0x80, v4, vm0, $0xb8;
	[tilespmem:$0x18080] =	vst v63  }
0x96: {  	_ = 	snop  }
0x97: {  	[tilespmem:s16], [sflag:$0x1] =	stream.indirect_vreg.gather [hbm4b:s2+s3], $0x80, v3, vm0, $0xb8;
	[tilespmem:$0x18080] =	vst v63  }
0x98: {  	_ = 	snop  }
0x99: {  	[tilespmem:s17], [sflag:$0x1] =	stream.indirect_vreg.gather [hbm4b:s4+s3], $0x80, v3, vm0, $0xb8;
	[tilespmem:$0x18080] =	vst v63  }
0x9a: {  	_ = 	snop  }
0x9b: {  	[tilespmem:s18], [sflag:$0x1] =	stream.indirect_vreg.gather [hbm4b:s5+s3], $0x80, v3, vm0, $0xb8;
	[tilespmem:$0x18080] =	vst v63  }
0x9c: {  	v3 =	vld [tilespmem:$0x60];
	_ =	sdelay $0x4  }
0x9d: {  	v62 =	vshrl.u32 v3, $0x3  }
0x9e: {  	v4 =	vmul.u32 $0x30, v62  }
0x9f: {  	v3 =	vand.u32 $0x7, v3  }
0xa0: {  	v3 =	vor.u32 v3, v4  }
0xa1: {  	v4 =	vperm.xlane v3, v0;
	_ =	sdelay $0x1  }
0xa2: {  	v4 =	vadd.s32 v1, v4;
	_ =	sdelay $0x3  }
0xa3: {  	v3 =	vperm.xlane v3, v2  }
0xa4: {  	[tilespmem:s19], [sflag:$0x1] =	stream.indirect_vreg.gather [hbm4b:s2+s3], $0x80, v4, vm0, $0xb8;
	[tilespmem:$0x18080] =	vst v63  }
0xa5: {  	v3 =	vadd.s32 v1, v3  }
0xa6: {  	[tilespmem:s20], [sflag:$0x1] =	stream.indirect_vreg.gather [hbm4b:s4+s3], $0x80, v4, vm0, $0xb8;
	[tilespmem:$0x18080] =	vst v63  }
0xa7: {  	_ = 	snop  }
0xa8: {  	[tilespmem:s21], [sflag:$0x1] =	stream.indirect_vreg.gather [hbm4b:s5+s3], $0x80, v4, vm0, $0xb8;
	[tilespmem:$0x18080] =	vst v63  }
0xa9: {  	_ = 	snop  }
0xaa: {  	[tilespmem:s22], [sflag:$0x1] =	stream.indirect_vreg.gather [hbm4b:s2+s3], $0x80, v3, vm0, $0xb8;
	[tilespmem:$0x18080] =	vst v63  }
0xab: {  	_ = 	snop  }
0xac: {  	[tilespmem:s23], [sflag:$0x1] =	stream.indirect_vreg.gather [hbm4b:s4+s3], $0x80, v3, vm0, $0xb8;
	[tilespmem:$0x18080] =	vst v63  }
0xad: {  	_ = 	snop  }
0xae: {  	[tilespmem:s24], [sflag:$0x1] =	stream.indirect_vreg.gather [hbm4b:s5+s3], $0x80, v3, vm0, $0xb8;
	[tilespmem:$0x18080] =	vst v63  }
0xaf: {  	v3 =	vld [tilespmem:$0x70];
	_ =	sdelay $0x4  }
0xb0: {  	v63 =	vshrl.u32 v3, $0x3  }
0xb1: {  	v4 =	vmul.u32 $0x30, v63  }
0xb2: {  	v3 =	vand.u32 $0x7, v3  }
0xb3: {  	v3 =	vor.u32 v3, v4  }
0xb4: {  	v4 =	vperm.xlane v3, v0;
	_ =	sdelay $0x1  }
0xb5: {  	v4 =	vadd.s32 v1, v4;
	_ =	sdelay $0x3  }
0xb6: {  	v3 =	vperm.xlane v3, v2  }
0xb7: {  	[tilespmem:s25], [sflag:$0x1] =	stream.indirect_vreg.gather [hbm4b:s2+s3], $0x80, v4, vm0, $0xb8;
	[tilespmem:$0x18080] =	vst v63  }
0xb8: {  	v3 =	vadd.s32 v1, v3  }
0xb9: {  	[tilespmem:s26], [sflag:$0x1] =	stream.indirect_vreg.gather [hbm4b:s4+s3], $0x80, v4, vm0, $0xb8;
	[tilespmem:$0x18080] =	vst v63  }
0xba: {  	_ = 	snop  }
0xbb: {  	[tilespmem:s28], [sflag:$0x1] =	stream.indirect_vreg.gather [hbm4b:s5+s3], $0x80, v4, vm0, $0xb8;
	[tilespmem:$0x18080] =	vst v63  }
0xbc: {  	_ = 	snop  }
0xbd: {  	[tilespmem:s29], [sflag:$0x1] =	stream.indirect_vreg.gather [hbm4b:s2+s3], $0x80, v3, vm0, $0xb8;
	[tilespmem:$0x18080] =	vst v63  }
0xbe: {  	_ = 	snop  }
0xbf: {  	[tilespmem:s30], [sflag:$0x1] =	stream.indirect_vreg.gather [hbm4b:s4+s3], $0x80, v3, vm0, $0xb8;
	[tilespmem:$0x18080] =	vst v63  }
0xc0: {  	_ = 	snop  }
0xc1: {  	[tilespmem:s31], [sflag:$0x1] =	stream.indirect_vreg.gather [hbm4b:s5+s3], $0x80, v3, vm0, $0xb8;
	[tilespmem:$0x18080] =	vst v63  }
0xc2: {  	_ =	swait.ge [sflag:s1], $0x18000  }
0xc3: {  	p0 =	sne.s32 s6, $0x1;
	[sflag:s1] =	ssyncset.done $0x0  }
.Ltmp0:
0xc4: {  	s9 =	rddreg [dreg:$0x4];
	[sflag:s1] =	ssyncadd.s32 $0xFFFE8000;
	(pc) =	sbr.rel @p0 .LBB2_1-.Ltmp0, $4  }
0xc5: {  	[hbm4b:s9+s3] =	stream.linear.scatter [tilespmem:s8], [sflag:$0x2], $0x18000, $0x38;
	[tilespmem:$0x18080] =	vst v63  }
0xc6: {  	_ =	swait.ge [sflag:s7], $0x18000  }
0xc7: {  	[sflag:s7] =	ssyncset.done $0x0  }
0xc8: {  	s6 =	sadd.s32 $0xFFFFFFFF, s6;
	[sflag:s7] =	ssyncadd.s32 $0xFFFE8000  }
0xc9: {  	_ =	sfence.sel $0x180000  }
0xca: {  	[bflag:$0x0] =	sbarrier.arrive $0xFFFF  }
0xcb: {  	_ =	strace $0x9000004A  }
0xcc: {  	s0 =	stileid.u32;
	[bflag:$0x2] =	sbarrier.arrive $0xFFFF  }
0xcd: {  	p0 =	sne.s32 s0, $0x0;
	s0 =	rddreg [dreg:$0x2]  }
0xce: {  	s0 =	sadd.s32 @!p0 $0x100000, s0  }
0xcf: {  	[sflag:s0] =	ssyncadd.tile.s32 @!p0 $0x1;
	_ =	shalt  }
.Lfunc_end2:
_tile_overlayer_lowered:
.L_overlay_start_2:
0xd0: {  	(tag) =	ssettag $0x2  }
0xd1: {  	s0 =	rddreg [dreg:$0x0];
	s2 =	stileid.u32  }
0xd2: {  	s1 =	rddreg [dreg:$0x1];
	p0 =	sne.s32 s2, $0x0  }
0xd3: {  	s3 =	rddreg [dreg:$0x2];
	[bflag:$0x3] =	sbarrier.arrive $0xFFFF;
	s2 =	simm.s32 @!p0 $0x1C02  }
0xd4: {  	[timem:s3], [sflag:s2] =	dma.local @!p0 [hbm:s0], s1  }
0xd5: {  	s0 =	simm.s32 @!p0 $0x2  }
0xd6: {  	_ =	swait.ge @!p0 [sflag:s0], s1  }
0xd7: {  	s1 =	ssub.s32 @!p0 $0x0, s1;
	[sflag:s0] =	ssyncset.done @!p0 $0x0  }
0xd8: {  	[sflag:s0] =	ssyncadd.s32 @!p0 s1  }
0xd9: {  	[bflag:$0x3] =	sbarrier.arrive $0xFFFF  }
0xda: {  	_ =	shalt  }

// kernel: kernel.7.cloned.1.call-start
scs
__scs_entry_jumppad:
0x0: {  	(pc) =	sbr.rel $0x88, $3  }
0x1: {  	(tag) =	ssettag $0x0;
	lr =	simm.s32 $0x1  }
0x2: {  	[smem:$0x3F9B] =	sst lr;
	_ =	strace $0xD0000000  }
0x3: {  	_ = 	snop  }
0x4: {  	_ = 	snop  }
0x5: {  	_ = 	snop  }
0x6: {  	_ = 	snop  }
0x7: {  	_ = 	snop  }
__scs_overlays_trampoline_lowered:
0x8: {  	[smem:$0x3FAA] =	sst s0  }
0x9: {  	[smem:$0x3FAB] =	sst s1  }
0xa: {  	[smem:$0x3FAC] =	sst s2  }
0xb: {  	[smem:$0x3FAD] =	sst s3  }
0xc: {  	[smem:$0x3FAE] =	sst s4  }
0xd: {  	[smem:$0x3FAF] =	sst s5  }
0xe: {  	[smem:$0x3FB0] =	sst s6  }
0xf: {  	[smem:$0x3FB1] =	sst s7  }
0x10: {  	[smem:$0x3FB2] =	sst s8  }
0x11: {  	[smem:$0x3FB3] =	sst s9;
	s0 =	simm.s32 @!p0 $0x0  }
0x12: {  	s1 =	sld [smem:$0x3F99];
	s0 =	simm.s32 @p0 $0x1  }
0x13: {  	[smem:$0x3FB4] =	sst s0;
	s0 =	simm.s32 @!p1 $0x0  }
0x14: {  	s2 =	sld [smem:$0x3F98];
	s0 =	simm.s32 @p1 $0x1  }
0x15: {  	[smem:$0x3FB5] =	sst s0;
	s0 =	simm.s32 @!p2 $0x0  }
0x16: {  	s3 =	sld [smem:$0x3FDB];
	s0 =	simm.s32 @p2 $0x1  }
0x17: {  	s4 =	simm.s32 $0x1BF5;
	[smem:$0x3FB7] =	sst s0  }
0x18: {  	s0 =	sld [smem:$0x3F9A];
	_ =	swait.ge [sflag:s4], $0x0  }
0x19: {  	s7 =	sld [smem:$0x3F9B]  }
0x1a: {  	s8 =	sadd.s32 $0xFFFFE003, lr  }
0x1b: {  	s9 =	sadd.s32 $0xFFFFFEF7, lr;
	s5 =	simm.s32 $0xFFFFFFFF;
	p2 =	slt.u32 s8, $0xFFFFF086  }
0x1c: {  	p1 =	slt.u32 s9, $0xF7A;
	s5 =	simm.s32 @!p2 $0x0  }
0x1d: {  	s5 =	simm.s32 @p1 $0x1;
	p0 =	seq.s32 s7, s2  }
0x1e: {  	s7 =	smul.u32 @!p0 $0xF7A, s2;
	p2 =	seq.s32 @!p0 s5, $0x0  }
0x1f: {  	s9 =	smul.u32 $0xF7A, s1;
	s8 =	simm.s32 @!p0 $0x1BF5;
	p2 =	por !p2, p0  }
0x20: {  	[sflag:s8] =	ssyncset.s32 @!p0 $0xFFFFF086;
	s6 =	sadd.s32 @!p0 s3, s7;
	s7 =	simm.s32 @!p0 $0x108  }
0x21: {  	s3 =	sadd.s32 s3, s9;
	s6 =	sadd.s32 @!p0 $0x88, s6;
	s7 =	simm.s32 @p2 $0x1082  }
0x22: {  	[simem:s7], [sflag:s8] =	dma.local @!p0 [hbm:s6], $0xF7A  }
0x23: {  	s9 =	sor.u32 $0xD0000000, s2;
	s6 =	simm.s32 $0x108;
	_ =	swait.ge @!p0 [sflag:s8], $0x0  }
0x24: {  	s3 =	sadd.s32 $0x88, s3;
	s6 =	simm.s32 @!p1 $0x1082;
	[sflag:s4] =	ssyncset.s32 $0xFFFFF086  }
0x25: {  	[simem:s6], [sflag:s4] =	dma.local [hbm:s3], $0xF7A  }
0x26: {  	[smem:$0x3F9B] =	sst s1;
	(tag) =	ssettag s2;
	_ =	strace s9  }
0x27: {  	s1 =	sld [smem:$0x3FAB]  }
0x28: {  	s2 =	sld [smem:$0x3FAC]  }
0x29: {  	s4 =	sld [smem:$0x3FAE]  }
0x2a: {  	p0 =	seq.s32 s5, $0x0;
	s5 =	sld [smem:$0x3FAF]  }
0x2b: {  	s6 =	sld [smem:$0x3FB0]  }
0x2c: {  	s7 =	sld [smem:$0x3FB1]  }
0x2d: {  	s3 =	simm.s32 $0x108;
	s8 =	sld [smem:$0x3FB2]  }
0x2e: {  	s3 =	simm.s32 @!p0 $0x1082;
	s9 =	sld [smem:$0x3FB3]  }
0x2f: {  	lr =	sadd.s32 s0, s3;
	s0 =	sld [smem:$0x3FAA]  }
0x30: {  	s3 =	sld [smem:$0x3FAD]  }
0x31: {  	[smem:$0x3FB6] =	sst s10  }
0x32: {  	s10 =	sld [smem:$0x3FB4];
	_ =	sdelay $0x3  }
0x33: {  	p0 =	seq.s32 s10, $0x1;
	s10 =	sld [smem:$0x3FB6];
	_ =	sdelay $0x3  }
0x34: {  	[smem:$0x3FB6] =	sst s10  }
0x35: {  	s10 =	sld [smem:$0x3FB5];
	_ =	sdelay $0x3  }
0x36: {  	p1 =	seq.s32 s10, $0x1;
	s10 =	sld [smem:$0x3FB6];
	_ =	sdelay $0x3  }
0x37: {  	[smem:$0x3FB6] =	sst s10  }
0x38: {  	s10 =	sld [smem:$0x3FB7]  }
0x39: {  	_ = 	snop;
	(pc) =	sbr.ind lr, $3  }
0x3a: {  	_ = 	snop  }
0x3b: {  	_ = 	snop  }
0x3c: {  	p2 =	seq.s32 s10, $0x1;
	s10 =	sld [smem:$0x3FB6]  }
0x3d: {  	_ =	shalt  }
0x3e: {  	_ =	shalt  }
0x3f: {  	_ =	shalt  }
0x40: {  	_ =	shalt  }
0x41: {  	_ =	shalt  }
0x42: {  	_ =	shalt  }
0x43: {  	_ =	shalt  }
0x44: {  	_ =	shalt  }
0x45: {  	_ =	shalt  }
0x46: {  	_ =	shalt  }
0x47: {  	_ =	shalt  }
0x48: {  	_ =	shalt  }
0x49: {  	_ =	shalt  }
0x4a: {  	_ =	shalt  }
0x4b: {  	_ =	shalt  }
0x4c: {  	_ =	shalt  }
0x4d: {  	_ =	shalt  }
0x4e: {  	_ =	shalt  }
0x4f: {  	_ =	shalt  }
0x50: {  	_ =	shalt  }
0x51: {  	_ =	shalt  }
0x52: {  	_ =	shalt  }
0x53: {  	_ =	shalt  }
0x54: {  	_ =	shalt  }
0x55: {  	_ =	shalt  }
0x56: {  	_ =	shalt  }
0x57: {  	_ =	shalt  }
0x58: {  	_ =	shalt  }
0x59: {  	_ =	shalt  }
0x5a: {  	_ =	shalt  }
0x5b: {  	_ =	shalt  }
0x5c: {  	_ =	shalt  }
0x5d: {  	_ =	shalt  }
0x5e: {  	_ =	shalt  }
0x5f: {  	_ =	shalt  }
0x60: {  	_ =	shalt  }
0x61: {  	_ =	shalt  }
0x62: {  	_ =	shalt  }
0x63: {  	_ =	shalt  }
0x64: {  	_ =	shalt  }
0x65: {  	_ =	shalt  }
0x66: {  	_ =	shalt  }
0x67: {  	_ =	shalt  }
0x68: {  	_ =	shalt  }
0x69: {  	_ =	shalt  }
0x6a: {  	_ =	shalt  }
0x6b: {  	_ =	shalt  }
0x6c: {  	_ =	shalt  }
0x6d: {  	_ =	shalt  }
0x6e: {  	_ =	shalt  }
0x6f: {  	_ =	shalt  }
0x70: {  	_ =	shalt  }
0x71: {  	_ =	shalt  }
0x72: {  	_ =	shalt  }
0x73: {  	_ =	shalt  }
0x74: {  	_ =	shalt  }
0x75: {  	_ =	shalt  }
0x76: {  	_ =	shalt  }
0x77: {  	_ =	shalt  }
0x78: {  	_ =	shalt  }
0x79: {  	_ =	shalt  }
0x7a: {  	_ =	shalt  }
0x7b: {  	_ =	shalt  }
0x7c: {  	_ =	shalt  }
0x7d: {  	_ =	shalt  }
0x7e: {  	_ =	shalt  }
0x7f: {  	_ =	shalt  }
0x80: {  	_ =	shalt  }
0x81: {  	_ =	shalt  }
0x82: {  	_ =	shalt  }
0x83: {  	_ =	shalt  }
0x84: {  	_ =	shalt  }
0x85: {  	_ =	shalt  }
0x86: {  	_ =	shalt  }
0x87: {  	_ =	shalt  }
.Lfunc_end0:
.L_simem_size_0:
called_computation_lowered:
.L_overlay_start_0:
0x88: {  	s2 =	sld [smem:$0x3FD9]  }
0x89: {  	s3 =	sld [smem:$0x3FFE];
	_ =	sdelay $0x1  }
0x8a: {  	s1 =	srdreg.scid  }
0x8b: {  	s0 =	sand.u32 $0x1, s1  }
0x8c: {  	s14 =	sshll.u32 s0, $0xA;
	s2 =	sadd.s32 s3, s2  }
0x8d: {  	s2 =	sadd.s32 s2, s14  }
0x8e: {  	[smem:$0x3FC2] =	sst s2  }
0x8f: {  	_ = 	snop  }
0x90: {  	s2 =	sld [smem:$0x3FD0];
	_ =	sdelay $0x2  }
0x91: {  	s4 =	simm.s32 $0xB;
	s5 =	simm.s32 $0x10;
	s15 =	sld [smem:$0x3FC8]  }
0x92: {  	[smem:s5], [sflag:s4] =	dma.local [hbm:s2], $0x1  }
0x93: {  	_ =	swait.eq [sflag:s4], $0x1  }
0x94: {  	[sflag:s4] =	ssyncset.done $0x0  }
0x95: {  	[sflag:s4] =	ssyncadd.s32 $0xFFFFFFFF  }
0x96: {  	s16 =	sld [smem:$0x10];
	(tm) =	ssettm $0x1  }
0x97: {  	s17 =	sld [smem:$0x3FFB];
	_ =	sdelay $0x3  }
0x98: {  	_ =	strace s17  }
0x99: {  	s4 =	sld [smem:$0x3FFC];
	_ =	sdelay $0x3  }
0x9a: {  	_ =	strace s4  }
0x9b: {  	s4 =	sld [smem:$0x3FFD];
	_ =	sdelay $0x3  }
0x9c: {  	_ =	strace s4  }
0x9d: {  	_ =	strace $0x8FFFFFFF  }
0x9e: {  	s18 =	sld [smem:$0x3FDB];
	_ =	sdelay $0x1  }
0x9f: {  	s19 =	simm.s32 $_scs_section_size  }
0xa0: {  	s6 =	simm.s32 $_size__tile_overlayer_lowered;
	s7 =	simm.s32 $_tile_overlayer_lowered  }
0xa1: {  	s22 =	simm.s32 $0x1BFF;
	s21 =	sshll.u32 s7, $0x1;
	s4 =	sadd.s32 s19, s18  }
0xa2: {  	s8 =	simm.s32 $0x0;
	s20 =	sshll.u32 s6, $0x1;
	s6 =	sadd.s32 s21, s4  }
0xa3: {  	[timem:s8], [sflag:s22] =	dma.local [hbm:s6], s20  }
0xa4: {  	_ =	swait.ge [sflag:s22], s20  }
0xa5: {  	s5 =	ssub.s32 $0x0, s20;
	[sflag:s22] =	ssyncset.done $0x0  }
0xa6: {  	[sflag:s22] =	ssyncadd.s32 s5;
	_ =	sdelay $0x1  }
0xa7: {  	s23 =	simm.s32 $0x1B8B  }
0xa8: {  	_ =	swait.ge [sflag:s23], $0x1  }
0xa9: {  	[sflag:s23] =	ssyncset.done $0x0  }
0xaa: {  	s25 =	simm.s32 $0x1B8E;
	s24 =	sld [smem:$0x3FFE];
	[sflag:s23] =	ssyncadd.s32 $0xFFFFFFFF  }
0xab: {  	s26 =	simm.s32 $execute0_lowered;
	[smem:$0x3FD2] =	sst s25  }
0xac: {  	s6 =	sshll.u32 s26, $0x1;
	_ =	strace $0x80000046;
	[dreg:$0x1] =	wrdreg $0xFFFFFFFF  }
0xad: {  	s28 =	simm.s32 $_size_execute0_lowered;
	s4 =	sadd.s32 s4, s6;
	[dreg:$0x0] =	wrdreg $0x0  }
0xae: {  	s6 =	sshll.u32 s28, $0x1;
	[dreg:$0x2] =	wrdreg s4  }
0xaf: {  	[dreg:$0x3] =	wrdreg s6  }
0xb0: {  	[dreg:$0x4] =	wrdreg $0xC0  }
0xb1: {  	_ =	task [dreg:s8], $0x5FFFF  }
0xb2: {  	[dreg:$0x1] =	wrdreg $0xFFFFFFFF  }
0xb3: {  	[dreg:$0x0] =	wrdreg $0x60  }
0xb4: {  	[dreg:$0x2] =	wrdreg s15  }
0xb5: {  	[dreg:$0x3] =	wrdreg s24  }
0xb6: {  	[dreg:$0x4] =	wrdreg s16  }
0xb7: {  	[dreg:$0x5] =	wrdreg $0x9  }
0xb8: {  	_ =	task.clear_ibuf [dreg:s8], $0x6FFFF;
	_ =	strace $0x90000046  }
0xb9: {  	s29 =	simm.s32 $0x9;
	_ =	strace $0x80000048  }
0xba: {  	_ =	swait.ge [sflag:s29], $0x1  }
0xbb: {  	[sflag:s29] =	ssyncadd.s32 $0xFFFFFFFF  }
0xbc: {  	_ =	strace $0x90000048  }
0xbd: {  	_ =	sfence  }
0xbe: {  	s30 =	sld [smem:$0x0];
	_ =	sdelay $0x2  }
0xbf: {  	s31 =	sshll.u32 s1, $0xD;
	s1 =	sshrl.u32 s1, $0x2  }
0xc0: {  	s3 =	sand.u32 $0x4000, s31;
	s1 =	sadd.s32 s1, s30  }
0xc1: {  	s0 =	sor.u32 s3, s0;
	s1 =	sshll.u32 s1, $0x11  }
0xc2: {  	s0 =	sor.u32 s1, s0  }
0xc3: {  	s0 =	sadd.s32 $0x8F2B, s0  }
0xc4: {  	[sflag:s0] =	ssyncadd.remote.s32 $0x1  }
0xc5: {  	_ =	sfence.sel $0xFFFF  }
0xc6: {  	[dreg:$0x0] =	wrdreg $0xFFFFFFFF;
	(pc) =	sbr.abs _section_cstart, $3  }
0xc7: {  	[dreg:$0x1] =	wrdreg $0xFFFFFFFF  }
0xc8: {  	_ =	task.clear_ibuf [dreg:s8], $0x2FFFF;
	_ =	strace $0x9FFFFFFF  }
0xc9: {  	(tm) =	ssettm $0x7FFFFFFF  }
tec
execute0_lowered:
.L_overlay_start_1:
0x0: {  	(tag) =	ssettag $0x1  }
0x1: {  	s1 =	rddreg [dreg:$0x0]  }
0x2: {  	s4 =	rddreg [dreg:$0x1]  }
0x3: {  	s5 =	rddreg [dreg:$0x2];
	s3 =	simm.s32 $0x0  }
0x4: {  	s24 =	simm.s32 $0x880;
	[smem:$0x7FF] =	sst s3  }
0x5: {  	s25 =	simm.s32 $0x1080;
	_ =	strace $0x80000047;
	[dreg:$0x6] =	wrdreg s24  }
0x6: {  	s0 =	stileid.u32;
	s26 =	simm.s32 $0x1880;
	[dreg:$0x7] =	wrdreg s25  }
0x7: {  	s6 =	sshll.u32 s0, $0x5;
	s0 =	simm.s32 $0x2080;
	[dreg:$0x8] =	wrdreg s26  }
0x8: {  	s8 =	simm.s32 $0x4080;
	[dreg:$0x9] =	wrdreg s0  }
0x9: {  	s9 =	simm.s32 $0x4880;
	[dreg:$0xd] =	wrdreg s8  }
0xa: {  	s10 =	simm.s32 $0x5080;
	[dreg:$0xe] =	wrdreg s9  }
0xb: {  	s11 =	simm.s32 $0x5880;
	[dreg:$0xf] =	wrdreg s10  }
0xc: {  	s12 =	simm.s32 $0x6080;
	[dreg:$0x10] =	wrdreg s11  }
0xd: {  	s13 =	simm.s32 $0x6880;
	[dreg:$0x11] =	wrdreg s12  }
0xe: {  	s14 =	simm.s32 $0x7080;
	[dreg:$0x12] =	wrdreg s13  }
0xf: {  	s2 =	srdreg.scid;
	s15 =	simm.s32 $0x7880;
	[dreg:$0x13] =	wrdreg s14  }
0x10: {  	s16 =	simm.s32 $0x8080;
	s17 =	simm.s32 $0x8880;
	[dreg:$0x14] =	wrdreg s15  }
0x11: {  	s18 =	simm.s32 $0x9080;
	s20 =	simm.s32 $0x9880;
	[dreg:$0x15] =	wrdreg s16  }
0x12: {  	s21 =	simm.s32 $0xA080;
	s22 =	simm.s32 $0xA880;
	[dreg:$0x16] =	wrdreg s17  }
0x13: {  	s28 =	simm.s32 $0x16080;
	s29 =	simm.s32 $0x16880;
	[dreg:$0x17] =	wrdreg s18  }
0x14: {  	s30 =	simm.s32 $0x17080;
	s2 =	sand.u32 $0x1, s2;
	[dreg:$0x18] =	wrdreg s20  }
0x15: {  	s31 =	simm.s32 $0x17880;
	s7 =	sshll.u32 s2, $0x4;
	[dreg:$0x19] =	wrdreg s21  }
0x16: {  	s2 =	ssub.s32 $0x2, s2;
	[dreg:$0x1a] =	wrdreg s22;
	s24 =	simm.s32 $0xB880  }
0x17: {  	s25 =	simm.s32 $0xC080;
	s8 =	simm.s32 $0x80;
	s26 =	simm.s32 $0xC880  }
0x18: {  	s10 =	simm.s32 $0xD880;
	s11 =	simm.s32 $0xE080;
	s12 =	simm.s32 $0xE880  }
0x19: {  	s13 =	simm.s32 $0xF080;
	s14 =	simm.s32 $0xF880;
	s15 =	simm.s32 $0x10080  }
0x1a: {  	s16 =	simm.s32 $0x10880;
	s17 =	simm.s32 $0x11080;
	s18 =	simm.s32 $0x11880  }
0x1b: {  	s20 =	simm.s32 $0x12880;
	s21 =	simm.s32 $0x13080;
	[dreg:$0x1c] =	wrdreg s24  }
0x1c: {  	s22 =	simm.s32 $0x13880;
	s6 =	sor.u32 s7, s6;
	[dreg:$0x1d] =	wrdreg s25  }
0x1d: {  	s7 =	simm.s32 $0x3880;
	s19 =	sshrl.u32 s2, $0x1;
	[dreg:$0x1e] =	wrdreg s26  }
0x1e: {  	s24 =	simm.s32 $0x14880;
	s4 =	sadd.s32 s6, s4;
	s6 =	smul.u32 $0x300, s6  }
0x1f: {  	s25 =	simm.s32 $0x15080;
	[dreg:$0xc] =	wrdreg s7;
	s4 =	sadd.s32 $0x1800, s4  }
0x20: {  	s26 =	simm.s32 $0x15880;
	[dreg:$0x4] =	wrdreg s4;
	s23 =	sadd.s32 s5, s6  }
0x21: {  	s2 =	ssub.s32 s2, s19;
	s5 =	simm.s32 $0x2880;
	[dreg:$0x5] =	wrdreg s23  }
0x22: {  	s7 =	simm.s32 $0x2;
	s6 =	simm.s32 $0x3080;
	[dreg:$0xa] =	wrdreg s5  }
0x23: {  	v2 =	vlaneseq.u32;
	s19 =	simm.s32 $0x12080;
	s4 =	sadd.s32 $0x100, s1;
	[dreg:$0xb] =	wrdreg s6  }
0x24: {  	vm0 =	vmmov $0xffff;
	v1 =	vshrl.u32 v2, $0x3;
	s5 =	sadd.s32 $0x200, s1;
	s23 =	simm.s32 $0xB080;
	s6 =	smax.u32 s2, $0x1  }
0x25: {  	v0 =	vand.u32 $0x7, v2;
	v2 =	vor.u32 $0x8, v2;
	v1 =	vmul.u32 $0x8, v1;
	s2 =	simm.s32 $0x1;
	[dreg:$0x1b] =	wrdreg s23;
	s23 =	simm.s32 $0x14080  }
.LBB2_1:
0x26: {  	s0 =	rddreg [dreg:$0x4]  }
0x27: {  	[tilespmem:s3], [sflag:$0x2] =	stream.linear.gather [hbm4b:s0+s3], $0x80, $0x38;
	[tilespmem:$0x18080] =	vst v63  }
0x28: {  	_ =	swait.ge [sflag:s7], $0x80  }
0x29: {  	[sflag:s7] =	ssyncset.done $0x0  }
0x2a: {  	[sflag:s7] =	ssyncadd.s32 $0xFFFFFF80  }
0x2b: {  	v3 =	vld [tilespmem:$0x0];
	_ =	sdelay $0x4  }
0x2c: {  	v4 =	vshrl.u32 v3, $0x3  }
0x2d: {  	v4 =	vmul.u32 $0x30, v4  }
0x2e: {  	v3 =	vand.u32 $0x7, v3  }
0x2f: {  	v3 =	vor.u32 v3, v4  }
0x30: {  	v4 =	vperm.xlane v3, v0;
	_ =	sdelay $0x1  }
0x31: {  	v4 =	vadd.s32 v1, v4;
	_ =	sdelay $0x3  }
0x32: {  	v3 =	vperm.xlane v3, v2  }
0x33: {  	[tilespmem:s8], [sflag:$0x1] =	stream.indirect_vreg.gather [hbm4b:s1+s3], $0x80, v4, vm0, $0xb8;
	[tilespmem:$0x18080] =	vst v63  }
0x34: {  	s0 =	rddreg [dreg:$0x6];
	v3 =	vadd.s32 v1, v3  }
0x35: {  	[tilespmem:s0], [sflag:$0x1] =	stream.indirect_vreg.gather [hbm4b:s4+s3], $0x80, v4, vm0, $0xb8;
	[tilespmem:$0x18080] =	vst v63  }
0x36: {  	s9 =	rddreg [dreg:$0x7]  }
0x37: {  	[tilespmem:s9], [sflag:$0x1] =	stream.indirect_vreg.gather [hbm4b:s5+s3], $0x80, v4, vm0, $0xb8;
	[tilespmem:$0x18080] =	vst v63  }
0x38: {  	s0 =	rddreg [dreg:$0x8]  }
0x39: {  	[tilespmem:s0], [sflag:$0x1] =	stream.indirect_vreg.gather [hbm4b:s1+s3], $0x80, v3, vm0, $0xb8;
	[tilespmem:$0x18080] =	vst v63  }
0x3a: {  	s9 =	rddreg [dreg:$0x9]  }
0x3b: {  	[tilespmem:s9], [sflag:$0x1] =	stream.indirect_vreg.gather [hbm4b:s4+s3], $0x80, v3, vm0, $0xb8;
	[tilespmem:$0x18080] =	vst v63  }
0x3c: {  	s0 =	rddreg [dreg:$0xa]  }
0x3d: {  	[tilespmem:s0], [sflag:$0x1] =	stream.indirect_vreg.gather [hbm4b:s5+s3], $0x80, v3, vm0, $0xb8;
	[tilespmem:$0x18080] =	vst v63  }
0x3e: {  	v3 =	vld [tilespmem:$0x10];
	_ =	sdelay $0x4  }
0x3f: {  	v57 =	vshrl.u32 v3, $0x3  }
0x40: {  	v4 =	vmul.u32 $0x30, v57  }
0x41: {  	v3 =	vand.u32 $0x7, v3  }
0x42: {  	v3 =	vor.u32 v3, v4  }
0x43: {  	v4 =	vperm.xlane v3, v0;
	_ =	sdelay $0x1  }
0x44: {  	v4 =	vadd.s32 v1, v4;
	_ =	sdelay $0x3  }
0x45: {  	s0 =	rddreg [dreg:$0xb];
	v3 =	vperm.xlane v3, v2  }
0x46: {  	[tilespmem:s0], [sflag:$0x1] =	stream.indirect_vreg.gather [hbm4b:s1+s3], $0x80, v4, vm0, $0xb8;
	[tilespmem:$0x18080] =	vst v63  }
0x47: {  	s9 =	rddreg [dreg:$0xc];
	v3 =	vadd.s32 v1, v3  }
0x48: {  	[tilespmem:s9], [sflag:$0x1] =	stream.indirect_vreg.gather [hbm4b:s4+s3], $0x80, v4, vm0, $0xb8;
	[tilespmem:$0x18080] =	vst v63  }
0x49: {  	s0 =	rddreg [dreg:$0xd]  }
0x4a: {  	[tilespmem:s0], [sflag:$0x1] =	stream.indirect_vreg.gather [hbm4b:s5+s3], $0x80, v4, vm0, $0xb8;
	[tilespmem:$0x18080] =	vst v63  }
0x4b: {  	s9 =	rddreg [dreg:$0xe]  }
0x4c: {  	[tilespmem:s9], [sflag:$0x1] =	stream.indirect_vreg.gather [hbm4b:s1+s3], $0x80, v3, vm0, $0xb8;
	[tilespmem:$0x18080] =	vst v63  }
0x4d: {  	s0 =	rddreg [dreg:$0xf]  }
0x4e: {  	[tilespmem:s0], [sflag:$0x1] =	stream.indirect_vreg.gather [hbm4b:s4+s3], $0x80, v3, vm0, $0xb8;
	[tilespmem:$0x18080] =	vst v63  }
0x4f: {  	s9 =	rddreg [dreg:$0x10]  }
0x50: {  	[tilespmem:s9], [sflag:$0x1] =	stream.indirect_vreg.gather [hbm4b:s5+s3], $0x80, v3, vm0, $0xb8;
	[tilespmem:$0x18080] =	vst v63  }
0x51: {  	v3 =	vld [tilespmem:$0x20];
	_ =	sdelay $0x4  }
0x52: {  	v58 =	vshrl.u32 v3, $0x3  }
0x53: {  	v4 =	vmul.u32 $0x30, v58  }
0x54: {  	v3 =	vand.u32 $0x7, v3  }
0x55: {  	v3 =	vor.u32 v3, v4  }
0x56: {  	v4 =	vperm.xlane v3, v0;
	_ =	sdelay $0x1  }
0x57: {  	v4 =	vadd.s32 v1, v4;
	_ =	sdelay $0x3  }
0x58: {  	s0 =	rddreg [dreg:$0x11];
	v3 =	vperm.xlane v3, v2  }
0x59: {  	[tilespmem:s0], [sflag:$0x1] =	stream.indirect_vreg.gather [hbm4b:s1+s3], $0x80, v4, vm0, $0xb8;
	[tilespmem:$0x18080] =	vst v63  }
0x5a: {  	s9 =	rddreg [dreg:$0x12];
	v3 =	vadd.s32 v1, v3  }
0x5b: {  	[tilespmem:s9], [sflag:$0x1] =	stream.indirect_vreg.gather [hbm4b:s4+s3], $0x80, v4, vm0, $0xb8;
	[tilespmem:$0x18080] =	vst v63  }
0x5c: {  	s0 =	rddreg [dreg:$0x13]  }
0x5d: {  	[tilespmem:s0], [sflag:$0x1] =	stream.indirect_vreg.gather [hbm4b:s5+s3], $0x80, v4, vm0, $0xb8;
	[tilespmem:$0x18080] =	vst v63  }
0x5e: {  	s9 =	rddreg [dreg:$0x14]  }
0x5f: {  	[tilespmem:s9], [sflag:$0x1] =	stream.indirect_vreg.gather [hbm4b:s1+s3], $0x80, v3, vm0, $0xb8;
	[tilespmem:$0x18080] =	vst v63  }
0x60: {  	s0 =	rddreg [dreg:$0x15]  }
0x61: {  	[tilespmem:s0], [sflag:$0x1] =	stream.indirect_vreg.gather [hbm4b:s4+s3], $0x80, v3, vm0, $0xb8;
	[tilespmem:$0x18080] =	vst v63  }
0x62: {  	s9 =	rddreg [dreg:$0x16]  }
0x63: {  	[tilespmem:s9], [sflag:$0x1] =	stream.indirect_vreg.gather [hbm4b:s5+s3], $0x80, v3, vm0, $0xb8;
	[tilespmem:$0x18080] =	vst v63  }
0x64: {  	v3 =	vld [tilespmem:$0x30];
	_ =	sdelay $0x4  }
0x65: {  	v59 =	vshrl.u32 v3, $0x3  }
0x66: {  	v4 =	vmul.u32 $0x30, v59  }
0x67: {  	v3 =	vand.u32 $0x7, v3  }
0x68: {  	v3 =	vor.u32 v3, v4  }
0x69: {  	v4 =	vperm.xlane v3, v0;
	_ =	sdelay $0x1  }
0x6a: {  	v4 =	vadd.s32 v1, v4;
	_ =	sdelay $0x3  }
0x6b: {  	s0 =	rddreg [dreg:$0x17];
	v3 =	vperm.xlane v3, v2  }
0x6c: {  	[tilespmem:s0], [sflag:$0x1] =	stream.indirect_vreg.gather [hbm4b:s1+s3], $0x80, v4, vm0, $0xb8;
	[tilespmem:$0x18080] =	vst v63  }
0x6d: {  	s9 =	rddreg [dreg:$0x18];
	v3 =	vadd.s32 v1, v3  }
0x6e: {  	[tilespmem:s9], [sflag:$0x1] =	stream.indirect_vreg.gather [hbm4b:s4+s3], $0x80, v4, vm0, $0xb8;
	[tilespmem:$0x18080] =	vst v63  }
0x6f: {  	s0 =	rddreg [dreg:$0x19]  }
0x70: {  	[tilespmem:s0], [sflag:$0x1] =	stream.indirect_vreg.gather [hbm4b:s5+s3], $0x80, v4, vm0, $0xb8;
	[tilespmem:$0x18080] =	vst v63  }
0x71: {  	s9 =	rddreg [dreg:$0x1a]  }
0x72: {  	[tilespmem:s9], [sflag:$0x1] =	stream.indirect_vreg.gather [hbm4b:s1+s3], $0x80, v3, vm0, $0xb8;
	[tilespmem:$0x18080] =	vst v63  }
0x73: {  	s0 =	rddreg [dreg:$0x1b]  }
0x74: {  	[tilespmem:s0], [sflag:$0x1] =	stream.indirect_vreg.gather [hbm4b:s4+s3], $0x80, v3, vm0, $0xb8;
	[tilespmem:$0x18080] =	vst v63  }
0x75: {  	s9 =	rddreg [dreg:$0x1c]  }
0x76: {  	[tilespmem:s9], [sflag:$0x1] =	stream.indirect_vreg.gather [hbm4b:s5+s3], $0x80, v3, vm0, $0xb8;
	[tilespmem:$0x18080] =	vst v63  }
0x77: {  	v3 =	vld [tilespmem:$0x40];
	_ =	sdelay $0x4  }
0x78: {  	v60 =	vshrl.u32 v3, $0x3  }
0x79: {  	v4 =	vmul.u32 $0x30, v60  }
0x7a: {  	v3 =	vand.u32 $0x7, v3  }
0x7b: {  	v3 =	vor.u32 v3, v4  }
0x7c: {  	v4 =	vperm.xlane v3, v0;
	_ =	sdelay $0x1  }
0x7d: {  	v4 =	vadd.s32 v1, v4;
	_ =	sdelay $0x3  }
0x7e: {  	s0 =	rddreg [dreg:$0x1d];
	v3 =	vperm.xlane v3, v2  }
0x7f: {  	[tilespmem:s0], [sflag:$0x1] =	stream.indirect_vreg.gather [hbm4b:s1+s3], $0x80, v4, vm0, $0xb8;
	[tilespmem:$0x18080] =	vst v63  }
0x80: {  	s9 =	rddreg [dreg:$0x1e];
	v3 =	vadd.s32 v1, v3  }
0x81: {  	[tilespmem:s9], [sflag:$0x1] =	stream.indirect_vreg.gather [hbm4b:s4+s3], $0x80, v4, vm0, $0xb8;
	[tilespmem:$0x18080] =	vst v63  }
0x82: {  	s9 =	simm.s32 $0xD080  }
0x83: {  	[tilespmem:s9], [sflag:$0x1] =	stream.indirect_vreg.gather [hbm4b:s5+s3], $0x80, v4, vm0, $0xb8;
	[tilespmem:$0x18080] =	vst v63  }
0x84: {  	_ = 	snop  }
0x85: {  	[tilespmem:s10], [sflag:$0x1] =	stream.indirect_vreg.gather [hbm4b:s1+s3], $0x80, v3, vm0, $0xb8;
	[tilespmem:$0x18080] =	vst v63  }
0x86: {  	_ = 	snop  }
0x87: {  	[tilespmem:s11], [sflag:$0x1] =	stream.indirect_vreg.gather [hbm4b:s4+s3], $0x80, v3, vm0, $0xb8;
	[tilespmem:$0x18080] =	vst v63  }
0x88: {  	_ = 	snop  }
0x89: {  	[tilespmem:s12], [sflag:$0x1] =	stream.indirect_vreg.gather [hbm4b:s5+s3], $0x80, v3, vm0, $0xb8;
	[tilespmem:$0x18080] =	vst v63  }
0x8a: {  	v3 =	vld [tilespmem:$0x50];
	_ =	sdelay $0x4  }
0x8b: {  	v61 =	vshrl.u32 v3, $0x3  }
0x8c: {  	v4 =	vmul.u32 $0x30, v61  }
0x8d: {  	v3 =	vand.u32 $0x7, v3  }
0x8e: {  	v3 =	vor.u32 v3, v4  }
0x8f: {  	v4 =	vperm.xlane v3, v0;
	_ =	sdelay $0x1  }
0x90: {  	v4 =	vadd.s32 v1, v4;
	_ =	sdelay $0x3  }
0x91: {  	v3 =	vperm.xlane v3, v2  }
0x92: {  	[tilespmem:s13], [sflag:$0x1] =	stream.indirect_vreg.gather [hbm4b:s1+s3], $0x80, v4, vm0, $0xb8;
	[tilespmem:$0x18080] =	vst v63  }
0x93: {  	v3 =	vadd.s32 v1, v3  }
0x94: {  	[tilespmem:s14], [sflag:$0x1] =	stream.indirect_vreg.gather [hbm4b:s4+s3], $0x80, v4, vm0, $0xb8;
	[tilespmem:$0x18080] =	vst v63  }
0x95: {  	_ = 	snop  }
0x96: {  	[tilespmem:s15], [sflag:$0x1] =	stream.indirect_vreg.gather [hbm4b:s5+s3], $0x80, v4, vm0, $0xb8;
	[tilespmem:$0x18080] =	vst v63  }
0x97: {  	_ = 	snop  }
0x98: {  	[tilespmem:s16], [sflag:$0x1] =	stream.indirect_vreg.gather [hbm4b:s1+s3], $0x80, v3, vm0, $0xb8;
	[tilespmem:$0x18080] =	vst v63  }
0x99: {  	_ = 	snop  }
0x9a: {  	[tilespmem:s17], [sflag:$0x1] =	stream.indirect_vreg.gather [hbm4b:s4+s3], $0x80, v3, vm0, $0xb8;
	[tilespmem:$0x18080] =	vst v63  }
0x9b: {  	_ = 	snop  }
0x9c: {  	[tilespmem:s18], [sflag:$0x1] =	stream.indirect_vreg.gather [hbm4b:s5+s3], $0x80, v3, vm0, $0xb8;
	[tilespmem:$0x18080] =	vst v63  }
0x9d: {  	v3 =	vld [tilespmem:$0x60];
	_ =	sdelay $0x4  }
0x9e: {  	v62 =	vshrl.u32 v3, $0x3  }
0x9f: {  	v4 =	vmul.u32 $0x30, v62  }
0xa0: {  	v3 =	vand.u32 $0x7, v3  }
0xa1: {  	v3 =	vor.u32 v3, v4  }
0xa2: {  	v4 =	vperm.xlane v3, v0;
	_ =	sdelay $0x1  }
0xa3: {  	v4 =	vadd.s32 v1, v4;
	_ =	sdelay $0x3  }
0xa4: {  	v3 =	vperm.xlane v3, v2  }
0xa5: {  	[tilespmem:s19], [sflag:$0x1] =	stream.indirect_vreg.gather [hbm4b:s1+s3], $0x80, v4, vm0, $0xb8;
	[tilespmem:$0x18080] =	vst v63  }
0xa6: {  	v3 =	vadd.s32 v1, v3  }
0xa7: {  	[tilespmem:s20], [sflag:$0x1] =	stream.indirect_vreg.gather [hbm4b:s4+s3], $0x80, v4, vm0, $0xb8;
	[tilespmem:$0x18080] =	vst v63  }
0xa8: {  	_ = 	snop  }
0xa9: {  	[tilespmem:s21], [sflag:$0x1] =	stream.indirect_vreg.gather [hbm4b:s5+s3], $0x80, v4, vm0, $0xb8;
	[tilespmem:$0x18080] =	vst v63  }
0xaa: {  	_ = 	snop  }
0xab: {  	[tilespmem:s22], [sflag:$0x1] =	stream.indirect_vreg.gather [hbm4b:s1+s3], $0x80, v3, vm0, $0xb8;
	[tilespmem:$0x18080] =	vst v63  }
0xac: {  	_ = 	snop  }
0xad: {  	[tilespmem:s23], [sflag:$0x1] =	stream.indirect_vreg.gather [hbm4b:s4+s3], $0x80, v3, vm0, $0xb8;
	[tilespmem:$0x18080] =	vst v63  }
0xae: {  	_ = 	snop  }
0xaf: {  	[tilespmem:s24], [sflag:$0x1] =	stream.indirect_vreg.gather [hbm4b:s5+s3], $0x80, v3, vm0, $0xb8;
	[tilespmem:$0x18080] =	vst v63  }
0xb0: {  	v3 =	vld [tilespmem:$0x70];
	_ =	sdelay $0x4  }
0xb1: {  	v63 =	vshrl.u32 v3, $0x3  }
0xb2: {  	v4 =	vmul.u32 $0x30, v63  }
0xb3: {  	v3 =	vand.u32 $0x7, v3  }
0xb4: {  	v3 =	vor.u32 v3, v4  }
0xb5: {  	v4 =	vperm.xlane v3, v0;
	_ =	sdelay $0x1  }
0xb6: {  	v4 =	vadd.s32 v1, v4;
	_ =	sdelay $0x3  }
0xb7: {  	v3 =	vperm.xlane v3, v2  }
0xb8: {  	[tilespmem:s25], [sflag:$0x1] =	stream.indirect_vreg.gather [hbm4b:s1+s3], $0x80, v4, vm0, $0xb8;
	[tilespmem:$0x18080] =	vst v63  }
0xb9: {  	v3 =	vadd.s32 v1, v3  }
0xba: {  	[tilespmem:s26], [sflag:$0x1] =	stream.indirect_vreg.gather [hbm4b:s4+s3], $0x80, v4, vm0, $0xb8;
	[tilespmem:$0x18080] =	vst v63  }
0xbb: {  	_ = 	snop  }
0xbc: {  	[tilespmem:s28], [sflag:$0x1] =	stream.indirect_vreg.gather [hbm4b:s5+s3], $0x80, v4, vm0, $0xb8;
	[tilespmem:$0x18080] =	vst v63  }
0xbd: {  	_ = 	snop  }
0xbe: {  	[tilespmem:s29], [sflag:$0x1] =	stream.indirect_vreg.gather [hbm4b:s1+s3], $0x80, v3, vm0, $0xb8;
	[tilespmem:$0x18080] =	vst v63  }
0xbf: {  	_ = 	snop  }
0xc0: {  	[tilespmem:s30], [sflag:$0x1] =	stream.indirect_vreg.gather [hbm4b:s4+s3], $0x80, v3, vm0, $0xb8;
	[tilespmem:$0x18080] =	vst v63  }
0xc1: {  	_ = 	snop  }
0xc2: {  	[tilespmem:s31], [sflag:$0x1] =	stream.indirect_vreg.gather [hbm4b:s5+s3], $0x80, v3, vm0, $0xb8;
	[tilespmem:$0x18080] =	vst v63  }
0xc3: {  	_ =	swait.ge [sflag:s2], $0x18000  }
0xc4: {  	p0 =	sne.s32 s6, $0x1;
	[sflag:s2] =	ssyncset.done $0x0  }
.Ltmp0:
0xc5: {  	s9 =	rddreg [dreg:$0x5];
	[sflag:s2] =	ssyncadd.s32 $0xFFFE8000;
	(pc) =	sbr.rel @p0 .LBB2_1-.Ltmp0, $4  }
0xc6: {  	[hbm4b:s9+s3] =	stream.linear.scatter [tilespmem:s8], [sflag:$0x2], $0x18000, $0x38;
	[tilespmem:$0x18080] =	vst v63  }
0xc7: {  	_ =	swait.ge [sflag:s7], $0x18000  }
0xc8: {  	[sflag:s7] =	ssyncset.done $0x0  }
0xc9: {  	s6 =	sadd.s32 $0xFFFFFFFF, s6;
	[sflag:s7] =	ssyncadd.s32 $0xFFFE8000  }
0xca: {  	_ =	sfence.sel $0x180000  }
0xcb: {  	[bflag:$0x0] =	sbarrier.arrive $0xFFFF  }
0xcc: {  	_ =	strace $0x90000047  }
0xcd: {  	s0 =	stileid.u32;
	[bflag:$0x2] =	sbarrier.arrive $0xFFFF  }
0xce: {  	p0 =	sne.s32 s0, $0x0;
	s0 =	rddreg [dreg:$0x3]  }
0xcf: {  	s0 =	sadd.s32 @!p0 $0x100000, s0  }
0xd0: {  	[sflag:s0] =	ssyncadd.tile.s32 @!p0 $0x1;
	_ =	shalt  }
.Lfunc_end2:
_tile_overlayer_lowered:
.L_overlay_start_2:
0xd1: {  	(tag) =	ssettag $0x2  }
0xd2: {  	s0 =	rddreg [dreg:$0x0];
	s2 =	stileid.u32  }
0xd3: {  	s1 =	rddreg [dreg:$0x1];
	p0 =	sne.s32 s2, $0x0  }
0xd4: {  	s3 =	rddreg [dreg:$0x2];
	[bflag:$0x3] =	sbarrier.arrive $0xFFFF;
	s2 =	simm.s32 @!p0 $0x1C02  }
0xd5: {  	[timem:s3], [sflag:s2] =	dma.local @!p0 [hbm:s0], s1  }
0xd6: {  	s0 =	simm.s32 @!p0 $0x2  }
0xd7: {  	_ =	swait.ge @!p0 [sflag:s0], s1  }
0xd8: {  	s1 =	ssub.s32 @!p0 $0x0, s1;
	[sflag:s0] =	ssyncset.done @!p0 $0x0  }
0xd9: {  	[sflag:s0] =	ssyncadd.s32 @!p0 s1  }
0xda: {  	[bflag:$0x3] =	sbarrier.arrive $0xFFFF  }
0xdb: {  	_ =	shalt  }

</sc_bundles>
